<compile_context>
chip_gen: v7x
topology: tpu7x:2x2x1
jax: 0.10.2.dev20260603
libtpu: 0.0.44.dev20260713+nightly
codegen_flags: <defaults>
</compile_context>

<pallas_src>
import functools

import jax
import jax.numpy as jnp
from jax import lax
from jax.experimental import pallas as pl
from jax.experimental.pallas import tpu as pltpu
from jax.experimental.pallas import tpu_sc as plsc

MAX_IDX = 255
D = 32
NC = 2
NS = 16
NW = NC * NS
L = 16
SCH = 512
NBUF = 2


def _sc_body(batch_per_w, T, x_hbm, table_hbm, out_hbm, table_v, idx_v, rows0,
             rows1, ssem0, ssem1):
  wid = lax.axis_index("s") * NC + lax.axis_index("c")
  rows = (rows0, rows1)
  ssems = (ssem0, ssem1)
  rows_per_chunk = SCH // 128

  pltpu.sync_copy(table_hbm, table_v)
  pltpu.sync_copy(x_hbm.at[wid], idx_v)

  @pl.loop(0, T, step=NBUF)
  def _chunks(t):
    for b in range(NBUF):
      c = t + b
      row_b = c >> 1
      soff = (c & 1) * SCH

      @pl.when(t >= NBUF)
      def _():
        pltpu.make_async_copy(rows[b], out_hbm.at[0, :, pl.ds(0, SCH)],
                              ssems[b]).wait()

      @pl.loop(0, SCH // L)
      def _groups(g):
        r = c * rows_per_chunk + (g >> 3)
        off = (g & 7) * L
        idx16 = idx_v[r, pl.ds(off, L)]
        flat = idx16 * D
        for d in range(D):
          val = plsc.load_gather(table_v, [flat + d])
          rows[b][d, pl.ds(g * L, L)] = val

      pltpu.async_copy(rows[b],
                       out_hbm.at[wid * batch_per_w + row_b, :,
                                  pl.ds(soff, SCH)],
                       ssems[b])

  for b in range(NBUF):
    pltpu.make_async_copy(rows[b], out_hbm.at[0, :, pl.ds(0, SCH)],
                          ssems[b]).wait()


def kernel(x, table):
  orig_shape = x.shape
  if x.ndim == 1:
    x = x[None, :]
  batch, seq = x.shape
  assert seq == 2 * SCH and batch % NW == 0
  per_w = batch * seq // NW
  n_rows = per_w // 128
  T = per_w // SCH
  batch_per_w = batch // NW

  x_r = jnp.asarray(x, jnp.int32).reshape(NW, n_rows, 128)
  table_flat = jnp.asarray(table, jnp.float32).reshape(-1)

  mesh = plsc.VectorSubcoreMesh(core_axis_name="c", subcore_axis_name="s")
  k = pl.kernel(
      functools.partial(_sc_body, batch_per_w, T),
      out_type=jax.ShapeDtypeStruct((batch, D, seq), jnp.float32),
      mesh=mesh,
      compiler_params=pltpu.CompilerParams(needs_layout_passes=False),
      scratch_types=[
          pltpu.VMEM(((MAX_IDX + 1) * D,), jnp.float32),
          pltpu.VMEM((n_rows, 128), jnp.int32),
          pltpu.VMEM((D, SCH), jnp.float32),
          pltpu.VMEM((D, SCH), jnp.float32),
          pltpu.SemaphoreType.DMA,
          pltpu.SemaphoreType.DMA,
      ],
  )
  out_t = k(x_r, table_flat)
  return jnp.transpose(out_t, (0, 2, 1)).reshape(orig_shape + (D,))

# --- scband reference (transcript-rebuilt; emitter-appended) ---
"""Pipeline reference for scband-char-wolf-embedding-27530740367432 (READ-ONLY COPY).

The authoritative reference and input builder live on the scoring server;
editing this copy changes nothing except your own understanding.
"""

import jax, jax.numpy as jnp
import numpy as np

MAX_VALUE = 255
EMBED_DIM = 32
BATCH = 1024
SEQ = 1024

def setup_inputs(seed: int = 0) -> dict:
    key = jax.random.key(seed)
    k_idx, k_tab = jax.random.split(key)
    x = jax.random.randint(k_idx, (BATCH, SEQ), 0, 256, dtype=jnp.int64)
    table = jax.random.normal(k_tab, (MAX_VALUE + 1, EMBED_DIM), dtype=jnp.float32) * 0.02
    return {"x": x, "table": table}

def reference(x, table):
    # Faithful translation of CharWolfEmbedding.forward
    if x.ndim == 1:
        x = x[None, :]
    x = x.astype(jnp.int64)
    x = jnp.clip(x, 0, MAX_VALUE)
    out = jnp.take(table, x, axis=0)
    return out

if __name__ == "__main__":
    import jax
    _d = setup_inputs()
    print(jax.jit(kernel)(*tuple(_d.values())))

</pallas_src>

<mosaic_0001>
#map = affine_map<(d0, d1) -> (0, 0, 0)>
#map1 = affine_map<(d0, d1) -> (0)>
module attributes {stable_mosaic.version = 14 : i64} {
  func.func @_sc_body(%arg0: i32, %arg1: i32, %arg2: memref<32x256x128xi32, #tpu.memory_space<hbm>>, %arg3: memref<8192xf32, #tpu.memory_space<hbm>>, %arg4: memref<1024x32x1024xf32, #tpu.memory_space<hbm>>, %arg5: memref<8192xf32, #tpu.memory_space<vmem>>, %arg6: memref<256x128xi32, #tpu.memory_space<vmem>>, %arg7: memref<32x512xf32, #tpu.memory_space<vmem>>, %arg8: memref<32x512xf32, #tpu.memory_space<vmem>>, %arg9: memref<!tpu.dma_semaphore, #tpu.memory_space<semaphore_mem>>, %arg10: memref<!tpu.dma_semaphore, #tpu.memory_space<semaphore_mem>>) attributes {dimension_semantics = [#tpu.dimension_semantics<core_parallel>, #tpu.dimension_semantics<subcore_parallel>], iteration_bounds = array<i64: 2, 16>, scalar_prefetch = 0 : i64, scratch_operands = 6 : i64, tpu.core_type = #tpu.core_type<sc_vector_subcore>, window_params = [{transform_indices = #map}, {transform_indices = #map1}, {transform_indices = #map}]} {
    %mul3A = arith.constant 2 : i32
    %mul3A_0 = arith.muli %arg1, %mul3A : i32
    %add3A = arith.addi %mul3A_0, %arg0 : i32
    "tpu.region"() ({
      %run_scoped3A = tpu.sem_alloc : memref<!tpu.dma_semaphore, #tpu.memory_space<semaphore_mem>>
      tpu.enqueue_dma source(%arg3 : memref<8192xf32, #tpu.memory_space<hbm>>) target(%arg5 : memref<8192xf32, #tpu.memory_space<vmem>>) target_semaphore(%run_scoped3A : memref<!tpu.dma_semaphore, #tpu.memory_space<semaphore_mem>>)
      tpu.wait_dma2 semaphore(%run_scoped3A : memref<!tpu.dma_semaphore, #tpu.memory_space<semaphore_mem>>) src(%arg3 : memref<8192xf32, #tpu.memory_space<hbm>>) dst(%arg5 : memref<8192xf32, #tpu.memory_space<vmem>>)
      tpu.yield
    }) : () -> ()
    "tpu.region"() ({
      %run_scoped3A = tpu.sem_alloc : memref<!tpu.dma_semaphore, #tpu.memory_space<semaphore_mem>>
      %dma_start3A = arith.constant 0 : i32
      %dma_start3A_22 = arith.constant 0 : i32
      %dma_start3A_23 = tpu.memref_slice %arg2[%add3A, %dma_start3A, %dma_start3A_22] : memref<32x256x128xi32, #tpu.memory_space<hbm>> -> memref<1x256x128xi32, #tpu.memory_space<hbm>>
      %dma_start3A_24 = tpu.memref_squeeze %dma_start3A_23 : memref<1x256x128xi32, #tpu.memory_space<hbm>> -> memref<256x128xi32, #tpu.memory_space<hbm>>
      %dma_start3A_25 = arith.constant 0 : i32
      %dma_start3A_26 = arith.constant 0 : i32
      %dma_start3A_27 = tpu.memref_slice %arg2[%add3A, %dma_start3A_25, %dma_start3A_26] : memref<32x256x128xi32, #tpu.memory_space<hbm>> -> memref<1x256x128xi32, #tpu.memory_space<hbm>>
      %dma_start3A_28 = tpu.memref_squeeze %dma_start3A_27 : memref<1x256x128xi32, #tpu.memory_space<hbm>> -> memref<256x128xi32, #tpu.memory_space<hbm>>
      tpu.enqueue_dma source(%dma_start3A_28 : memref<256x128xi32, #tpu.memory_space<hbm>>) target(%arg6 : memref<256x128xi32, #tpu.memory_space<vmem>>) target_semaphore(%run_scoped3A : memref<!tpu.dma_semaphore, #tpu.memory_space<semaphore_mem>>)
      %dma_wait3A_29 = arith.constant 0 : i32
      %dma_wait3A_30 = arith.constant 0 : i32
      %dma_wait3A_31 = tpu.memref_slice %arg2[%add3A, %dma_wait3A_29, %dma_wait3A_30] : memref<32x256x128xi32, #tpu.memory_space<hbm>> -> memref<1x256x128xi32, #tpu.memory_space<hbm>>
      %dma_wait3A_32 = tpu.memref_squeeze %dma_wait3A_31 : memref<1x256x128xi32, #tpu.memory_space<hbm>> -> memref<256x128xi32, #tpu.memory_space<hbm>>
      %dma_wait3A_33 = arith.constant 0 : i32
      %dma_wait3A_34 = arith.constant 0 : i32
      %dma_wait3A_35 = tpu.memref_slice %arg2[%add3A, %dma_wait3A_33, %dma_wait3A_34] : memref<32x256x128xi32, #tpu.memory_space<hbm>> -> memref<1x256x128xi32, #tpu.memory_space<hbm>>
      %dma_wait3A_36 = tpu.memref_squeeze %dma_wait3A_35 : memref<1x256x128xi32, #tpu.memory_space<hbm>> -> memref<256x128xi32, #tpu.memory_space<hbm>>
      tpu.wait_dma2 semaphore(%run_scoped3A : memref<!tpu.dma_semaphore, #tpu.memory_space<semaphore_mem>>) src(%dma_wait3A_36 : memref<256x128xi32, #tpu.memory_space<hbm>>) dst(%arg6 : memref<256x128xi32, #tpu.memory_space<vmem>>)
      tpu.yield
    }) : () -> ()
    %scan3A = arith.constant 0 : i32
    %scan3A_1 = arith.constant 32 : i32
    %scan3A_2 = arith.addi %scan3A, %scan3A_1 : i32
    %scan3A_3 = arith.constant 1 : i32
    scf.for %scan3A_22 = %scan3A to %scan3A_2 step %scan3A_3  : i32 {
      %mul3A_23 = arith.constant 2 : i32
      %mul3A_24 = arith.muli %scan3A_22, %mul3A_23 : i32
      %add3A_25 = arith.constant 0 : i32
      %add3A_26 = arith.addi %add3A_25, %mul3A_24 : i32
      %add3A_27 = arith.constant 0 : i32
      %add3A_28 = arith.addi %add3A_26, %add3A_27 : i32
      %shift_right_arithmetic3A = arith.constant 1 : i32
      %shift_right_arithmetic3A_29 = arith.shrsi %add3A_28, %shift_right_arithmetic3A : i32
      %and3A = arith.constant 1 : i32
      %and3A_30 = arith.andi %add3A_28, %and3A : i32
      %mul3A_31 = arith.constant 512 : i32
      %mul3A_32 = arith.muli %and3A_30, %mul3A_31 : i32
      %ge3A = arith.constant 2 : i32
      %ge3A_33 = arith.cmpi sge, %add3A_26, %ge3A : i32
      %convert_element_type3A = arith.extui %ge3A_33 : i1 to i32
      %cond3A = arith.constant 0 : i32
      %cond3A_34 = arith.cmpi ne, %convert_element_type3A, %cond3A : i32
      scf.if %cond3A_34 {
        %dma_wait3A_75 = arith.constant 0 : i32
        %dma_wait3A_76 = arith.constant 0 : i32
        %dma_wait3A_77 = arith.constant 0 : i32
        %dma_wait3A_78 = tpu.memref_slice %arg4[%dma_wait3A_75, %dma_wait3A_76, %dma_wait3A_77] : memref<1024x32x1024xf32, #tpu.memory_space<hbm>> -> memref<1x32x512xf32, #tpu.memory_space<hbm>>
        %dma_wait3A_79 = tpu.memref_squeeze %dma_wait3A_78 : memref<1x32x512xf32, #tpu.memory_space<hbm>> -> memref<32x512xf32, #tpu.memory_space<hbm>>
        %dma_wait3A_80 = arith.constant 0 : i32
        %dma_wait3A_81 = arith.constant 0 : i32
        %dma_wait3A_82 = tpu.memref_slice %arg4[%dma_wait3A_75, %dma_wait3A_80, %dma_wait3A_81] : memref<1024x32x1024xf32, #tpu.memory_space<hbm>> -> memref<1x32x512xf32, #tpu.memory_space<hbm>>
        %dma_wait3A_83 = tpu.memref_squeeze %dma_wait3A_82 : memref<1x32x512xf32, #tpu.memory_space<hbm>> -> memref<32x512xf32, #tpu.memory_space<hbm>>
        tpu.wait_dma2 semaphore(%arg9 : memref<!tpu.dma_semaphore, #tpu.memory_space<semaphore_mem>>) src(%arg7 : memref<32x512xf32, #tpu.memory_space<vmem>>) dst(%dma_wait3A_83 : memref<32x512xf32, #tpu.memory_space<hbm>>)
      } else {
      }
      %scan3A_35 = arith.constant 0 : i32
      %scan3A_36 = arith.constant 32 : i32
      %scan3A_37 = arith.addi %scan3A_35, %scan3A_36 : i32
      %scan3A_38 = arith.constant 1 : i32
      scf.for %scan3A_75 = %scan3A_35 to %scan3A_37 step %scan3A_38  : i32 {
        %mul3A_76 = arith.constant 1 : i32
        %mul3A_77 = arith.muli %scan3A_75, %mul3A_76 : i32
        %add3A_78 = arith.constant 0 : i32
        %add3A_79 = arith.addi %add3A_78, %mul3A_77 : i32
        %mul3A_80 = arith.constant 4 : i32
        %mul3A_81 = arith.muli %add3A_28, %mul3A_80 : i32
        %shift_right_arithmetic3A_82 = arith.constant 3 : i32
        %shift_right_arithmetic3A_83 = arith.shrsi %add3A_79, %shift_right_arithmetic3A_82 : i32
        %add3A_84 = arith.addi %mul3A_81, %shift_right_arithmetic3A_83 : i32
        %and3A_85 = arith.constant 7 : i32
        %and3A_86 = arith.andi %add3A_79, %and3A_85 : i32
        %mul3A_87 = arith.constant 16 : i32
        %mul3A_88 = arith.muli %and3A_86, %mul3A_87 : i32
        %get3A = arith.index_cast %add3A_84 : i32 to index
        %get3A_89 = arith.index_cast %mul3A_88 : i32 to index
        %get3A_90 = tpu.vector_load %arg6[%get3A, %get3A_89] {strides = array<i32>} : memref<256x128xi32, #tpu.memory_space<vmem>>, vector<16xi32>,
        %mul3A_91 = arith.constant 32 : i32
        %mul3A_92 = vector.broadcast %mul3A_91 : i32 to vector<16xi32>
        %mul3A_93 = arith.muli %get3A_90, %mul3A_92 : vector<16xi32>
        %add3A_94 = arith.constant 0 : i32
        %add3A_95 = vector.broadcast %add3A_94 : i32 to vector<16xi32>
        %add3A_96 = arith.addi %mul3A_93, %add3A_95 : vector<16xi32>
        %gather3A = tpu.vector_load_idx %arg5[%add3A_96] : memref<8192xf32, #tpu.memory_space<vmem>>[vector<16xi32>], vector<16xf32>,
        %mul3A_97 = arith.constant 16 : i32
        %mul3A_98 = arith.muli %add3A_79, %mul3A_97 : i32
        %swap3A = arith.constant 0 : i32
        %swap3A_99 = arith.index_cast %swap3A : i32 to index
        %swap3A_100 = arith.index_cast %mul3A_98 : i32 to index
        %swap3A_101 = tpu.vector_load %arg7[%swap3A_99, %swap3A_100] {strides = array<i32>} : memref<32x512xf32, #tpu.memory_space<vmem>>, vector<16xf32>,
        tpu.vector_store %arg7[%swap3A_99, %swap3A_100], %gather3A {strides = array<i32>} : memref<32x512xf32, #tpu.memory_space<vmem>>, vector<16xf32>,
        %add3A_102 = arith.constant 1 : i32
        %add3A_103 = vector.broadcast %add3A_102 : i32 to vector<16xi32>
        %add3A_104 = arith.addi %mul3A_93, %add3A_103 : vector<16xi32>
        %gather3A_105 = tpu.vector_load_idx %arg5[%add3A_104] : memref<8192xf32, #tpu.memory_space<vmem>>[vector<16xi32>], vector<16xf32>,
        %mul3A_106 = arith.constant 16 : i32
        %mul3A_107 = arith.muli %add3A_79, %mul3A_106 : i32
        %swap3A_108 = arith.constant 1 : i32
        %swap3A_109 = arith.index_cast %swap3A_108 : i32 to index
        %swap3A_110 = arith.index_cast %mul3A_107 : i32 to index
        %swap3A_111 = tpu.vector_load %arg7[%swap3A_109, %swap3A_110] {strides = array<i32>} : memref<32x512xf32, #tpu.memory_space<vmem>>, vector<16xf32>,
        tpu.vector_store %arg7[%swap3A_109, %swap3A_110], %gather3A_105 {strides = array<i32>} : memref<32x512xf32, #tpu.memory_space<vmem>>, vector<16xf32>,
        %add3A_112 = arith.constant 2 : i32
        %add3A_113 = vector.broadcast %add3A_112 : i32 to vector<16xi32>
        %add3A_114 = arith.addi %mul3A_93, %add3A_113 : vector<16xi32>
        %gather3A_115 = tpu.vector_load_idx %arg5[%add3A_114] : memref<8192xf32, #tpu.memory_space<vmem>>[vector<16xi32>], vector<16xf32>,
        %mul3A_116 = arith.constant 16 : i32
        %mul3A_117 = arith.muli %add3A_79, %mul3A_116 : i32
        %swap3A_118 = arith.constant 2 : i32
        %swap3A_119 = arith.index_cast %swap3A_118 : i32 to index
        %swap3A_120 = arith.index_cast %mul3A_117 : i32 to index
        %swap3A_121 = tpu.vector_load %arg7[%swap3A_119, %swap3A_120] {strides = array<i32>} : memref<32x512xf32, #tpu.memory_space<vmem>>, vector<16xf32>,
        tpu.vector_store %arg7[%swap3A_119, %swap3A_120], %gather3A_115 {strides = array<i32>} : memref<32x512xf32, #tpu.memory_space<vmem>>, vector<16xf32>,
        %add3A_122 = arith.constant 3 : i32
        %add3A_123 = vector.broadcast %add3A_122 : i32 to vector<16xi32>
        %add3A_124 = arith.addi %mul3A_93, %add3A_123 : vector<16xi32>
        %gather3A_125 = tpu.vector_load_idx %arg5[%add3A_124] : memref<8192xf32, #tpu.memory_space<vmem>>[vector<16xi32>], vector<16xf32>,
        %mul3A_126 = arith.constant 16 : i32
        %mul3A_127 = arith.muli %add3A_79, %mul3A_126 : i32
        %swap3A_128 = arith.constant 3 : i32
        %swap3A_129 = arith.index_cast %swap3A_128 : i32 to index
        %swap3A_130 = arith.index_cast %mul3A_127 : i32 to index
        %swap3A_131 = tpu.vector_load %arg7[%swap3A_129, %swap3A_130] {strides = array<i32>} : memref<32x512xf32, #tpu.memory_space<vmem>>, vector<16xf32>,
        tpu.vector_store %arg7[%swap3A_129, %swap3A_130], %gather3A_125 {strides = array<i32>} : memref<32x512xf32, #tpu.memory_space<vmem>>, vector<16xf32>,
        %add3A_132 = arith.constant 4 : i32
        %add3A_133 = vector.broadcast %add3A_132 : i32 to vector<16xi32>
        %add3A_134 = arith.addi %mul3A_93, %add3A_133 : vector<16xi32>
        %gather3A_135 = tpu.vector_load_idx %arg5[%add3A_134] : memref<8192xf32, #tpu.memory_space<vmem>>[vector<16xi32>], vector<16xf32>,
        %mul3A_136 = arith.constant 16 : i32
        %mul3A_137 = arith.muli %add3A_79, %mul3A_136 : i32
        %swap3A_138 = arith.constant 4 : i32
        %swap3A_139 = arith.index_cast %swap3A_138 : i32 to index
        %swap3A_140 = arith.index_cast %mul3A_137 : i32 to index
        %swap3A_141 = tpu.vector_load %arg7[%swap3A_139, %swap3A_140] {strides = array<i32>} : memref<32x512xf32, #tpu.memory_space<vmem>>, vector<16xf32>,
        tpu.vector_store %arg7[%swap3A_139, %swap3A_140], %gather3A_135 {strides = array<i32>} : memref<32x512xf32, #tpu.memory_space<vmem>>, vector<16xf32>,
        %add3A_142 = arith.constant 5 : i32
        %add3A_143 = vector.broadcast %add3A_142 : i32 to vector<16xi32>
        %add3A_144 = arith.addi %mul3A_93, %add3A_143 : vector<16xi32>
        %gather3A_145 = tpu.vector_load_idx %arg5[%add3A_144] : memref<8192xf32, #tpu.memory_space<vmem>>[vector<16xi32>], vector<16xf32>,
        %mul3A_146 = arith.constant 16 : i32
        %mul3A_147 = arith.muli %add3A_79, %mul3A_146 : i32
        %swap3A_148 = arith.constant 5 : i32
        %swap3A_149 = arith.index_cast %swap3A_148 : i32 to index
        %swap3A_150 = arith.index_cast %mul3A_147 : i32 to index
        %swap3A_151 = tpu.vector_load %arg7[%swap3A_149, %swap3A_150] {strides = array<i32>} : memref<32x512xf32, #tpu.memory_space<vmem>>, vector<16xf32>,
        tpu.vector_store %arg7[%swap3A_149, %swap3A_150], %gather3A_145 {strides = array<i32>} : memref<32x512xf32, #tpu.memory_space<vmem>>, vector<16xf32>,
        %add3A_152 = arith.constant 6 : i32
        %add3A_153 = vector.broadcast %add3A_152 : i32 to vector<16xi32>
        %add3A_154 = arith.addi %mul3A_93, %add3A_153 : vector<16xi32>
        %gather3A_155 = tpu.vector_load_idx %arg5[%add3A_154] : memref<8192xf32, #tpu.memory_space<vmem>>[vector<16xi32>], vector<16xf32>,
        %mul3A_156 = arith.constant 16 : i32
        %mul3A_157 = arith.muli %add3A_79, %mul3A_156 : i32
        %swap3A_158 = arith.constant 6 : i32
        %swap3A_159 = arith.index_cast %swap3A_158 : i32 to index
        %swap3A_160 = arith.index_cast %mul3A_157 : i32 to index
        %swap3A_161 = tpu.vector_load %arg7[%swap3A_159, %swap3A_160] {strides = array<i32>} : memref<32x512xf32, #tpu.memory_space<vmem>>, vector<16xf32>,
        tpu.vector_store %arg7[%swap3A_159, %swap3A_160], %gather3A_155 {strides = array<i32>} : memref<32x512xf32, #tpu.memory_space<vmem>>, vector<16xf32>,
        %add3A_162 = arith.constant 7 : i32
        %add3A_163 = vector.broadcast %add3A_162 : i32 to vector<16xi32>
        %add3A_164 = arith.addi %mul3A_93, %add3A_163 : vector<16xi32>
        %gather3A_165 = tpu.vector_load_idx %arg5[%add3A_164] : memref<8192xf32, #tpu.memory_space<vmem>>[vector<16xi32>], vector<16xf32>,
        %mul3A_166 = arith.constant 16 : i32
        %mul3A_167 = arith.muli %add3A_79, %mul3A_166 : i32
        %swap3A_168 = arith.constant 7 : i32
        %swap3A_169 = arith.index_cast %swap3A_168 : i32 to index
        %swap3A_170 = arith.index_cast %mul3A_167 : i32 to index
        %swap3A_171 = tpu.vector_load %arg7[%swap3A_169, %swap3A_170] {strides = array<i32>} : memref<32x512xf32, #tpu.memory_space<vmem>>, vector<16xf32>,
        tpu.vector_store %arg7[%swap3A_169, %swap3A_170], %gather3A_165 {strides = array<i32>} : memref<32x512xf32, #tpu.memory_space<vmem>>, vector<16xf32>,
        %add3A_172 = arith.constant 8 : i32
        %add3A_173 = vector.broadcast %add3A_172 : i32 to vector<16xi32>
        %add3A_174 = arith.addi %mul3A_93, %add3A_173 : vector<16xi32>
        %gather3A_175 = tpu.vector_load_idx %arg5[%add3A_174] : memref<8192xf32, #tpu.memory_space<vmem>>[vector<16xi32>], vector<16xf32>,
        %mul3A_176 = arith.constant 16 : i32
        %mul3A_177 = arith.muli %add3A_79, %mul3A_176 : i32
        %swap3A_178 = arith.constant 8 : i32
        %swap3A_179 = arith.index_cast %swap3A_178 : i32 to index
        %swap3A_180 = arith.index_cast %mul3A_177 : i32 to index
        %swap3A_181 = tpu.vector_load %arg7[%swap3A_179, %swap3A_180] {strides = array<i32>} : memref<32x512xf32, #tpu.memory_space<vmem>>, vector<16xf32>,
        tpu.vector_store %arg7[%swap3A_179, %swap3A_180], %gather3A_175 {strides = array<i32>} : memref<32x512xf32, #tpu.memory_space<vmem>>, vector<16xf32>,
        %add3A_182 = arith.constant 9 : i32
        %add3A_183 = vector.broadcast %add3A_182 : i32 to vector<16xi32>
        %add3A_184 = arith.addi %mul3A_93, %add3A_183 : vector<16xi32>
        %gather3A_185 = tpu.vector_load_idx %arg5[%add3A_184] : memref<8192xf32, #tpu.memory_space<vmem>>[vector<16xi32>], vector<16xf32>,
        %mul3A_186 = arith.constant 16 : i32
        %mul3A_187 = arith.muli %add3A_79, %mul3A_186 : i32
        %swap3A_188 = arith.constant 9 : i32
        %swap3A_189 = arith.index_cast %swap3A_188 : i32 to index
        %swap3A_190 = arith.index_cast %mul3A_187 : i32 to index
        %swap3A_191 = tpu.vector_load %arg7[%swap3A_189, %swap3A_190] {strides = array<i32>} : memref<32x512xf32, #tpu.memory_space<vmem>>, vector<16xf32>,
        tpu.vector_store %arg7[%swap3A_189, %swap3A_190], %gather3A_185 {strides = array<i32>} : memref<32x512xf32, #tpu.memory_space<vmem>>, vector<16xf32>,
        %add3A_192 = arith.constant 10 : i32
        %add3A_193 = vector.broadcast %add3A_192 : i32 to vector<16xi32>
        %add3A_194 = arith.addi %mul3A_93, %add3A_193 : vector<16xi32>
        %gather3A_195 = tpu.vector_load_idx %arg5[%add3A_194] : memref<8192xf32, #tpu.memory_space<vmem>>[vector<16xi32>], vector<16xf32>,
        %mul3A_196 = arith.constant 16 : i32
        %mul3A_197 = arith.muli %add3A_79, %mul3A_196 : i32
        %swap3A_198 = arith.constant 10 : i32
        %swap3A_199 = arith.index_cast %swap3A_198 : i32 to index
        %swap3A_200 = arith.index_cast %mul3A_197 : i32 to index
        %swap3A_201 = tpu.vector_load %arg7[%swap3A_199, %swap3A_200] {strides = array<i32>} : memref<32x512xf32, #tpu.memory_space<vmem>>, vector<16xf32>,
        tpu.vector_store %arg7[%swap3A_199, %swap3A_200], %gather3A_195 {strides = array<i32>} : memref<32x512xf32, #tpu.memory_space<vmem>>, vector<16xf32>,
        %add3A_202 = arith.constant 11 : i32
        %add3A_203 = vector.broadcast %add3A_202 : i32 to vector<16xi32>
        %add3A_204 = arith.addi %mul3A_93, %add3A_203 : vector<16xi32>
        %gather3A_205 = tpu.vector_load_idx %arg5[%add3A_204] : memref<8192xf32, #tpu.memory_space<vmem>>[vector<16xi32>], vector<16xf32>,
        %mul3A_206 = arith.constant 16 : i32
        %mul3A_207 = arith.muli %add3A_79, %mul3A_206 : i32
        %swap3A_208 = arith.constant 11 : i32
        %swap3A_209 = arith.index_cast %swap3A_208 : i32 to index
        %swap3A_210 = arith.index_cast %mul3A_207 : i32 to index
        %swap3A_211 = tpu.vector_load %arg7[%swap3A_209, %swap3A_210] {strides = array<i32>} : memref<32x512xf32, #tpu.memory_space<vmem>>, vector<16xf32>,
        tpu.vector_store %arg7[%swap3A_209, %swap3A_210], %gather3A_205 {strides = array<i32>} : memref<32x512xf32, #tpu.memory_space<vmem>>, vector<16xf32>,
        %add3A_212 = arith.constant 12 : i32
        %add3A_213 = vector.broadcast %add3A_212 : i32 to vector<16xi32>
        %add3A_214 = arith.addi %mul3A_93, %add3A_213 : vector<16xi32>
        %gather3A_215 = tpu.vector_load_idx %arg5[%add3A_214] : memref<8192xf32, #tpu.memory_space<vmem>>[vector<16xi32>], vector<16xf32>,
        %mul3A_216 = arith.constant 16 : i32
        %mul3A_217 = arith.muli %add3A_79, %mul3A_216 : i32
        %swap3A_218 = arith.constant 12 : i32
        %swap3A_219 = arith.index_cast %swap3A_218 : i32 to index
        %swap3A_220 = arith.index_cast %mul3A_217 : i32 to index
        %swap3A_221 = tpu.vector_load %arg7[%swap3A_219, %swap3A_220] {strides = array<i32>} : memref<32x512xf32, #tpu.memory_space<vmem>>, vector<16xf32>,
        tpu.vector_store %arg7[%swap3A_219, %swap3A_220], %gather3A_215 {strides = array<i32>} : memref<32x512xf32, #tpu.memory_space<vmem>>, vector<16xf32>,
        %add3A_222 = arith.constant 13 : i32
        %add3A_223 = vector.broadcast %add3A_222 : i32 to vector<16xi32>
        %add3A_224 = arith.addi %mul3A_93, %add3A_223 : vector<16xi32>
        %gather3A_225 = tpu.vector_load_idx %arg5[%add3A_224] : memref<8192xf32, #tpu.memory_space<vmem>>[vector<16xi32>], vector<16xf32>,
        %mul3A_226 = arith.constant 16 : i32
        %mul3A_227 = arith.muli %add3A_79, %mul3A_226 : i32
        %swap3A_228 = arith.constant 13 : i32
        %swap3A_229 = arith.index_cast %swap3A_228 : i32 to index
        %swap3A_230 = arith.index_cast %mul3A_227 : i32 to index
        %swap3A_231 = tpu.vector_load %arg7[%swap3A_229, %swap3A_230] {strides = array<i32>} : memref<32x512xf32, #tpu.memory_space<vmem>>, vector<16xf32>,
        tpu.vector_store %arg7[%swap3A_229, %swap3A_230], %gather3A_225 {strides = array<i32>} : memref<32x512xf32, #tpu.memory_space<vmem>>, vector<16xf32>,
        %add3A_232 = arith.constant 14 : i32
        %add3A_233 = vector.broadcast %add3A_232 : i32 to vector<16xi32>
        %add3A_234 = arith.addi %mul3A_93, %add3A_233 : vector<16xi32>
        %gather3A_235 = tpu.vector_load_idx %arg5[%add3A_234] : memref<8192xf32, #tpu.memory_space<vmem>>[vector<16xi32>], vector<16xf32>,
        %mul3A_236 = arith.constant 16 : i32
        %mul3A_237 = arith.muli %add3A_79, %mul3A_236 : i32
        %swap3A_238 = arith.constant 14 : i32
        %swap3A_239 = arith.index_cast %swap3A_238 : i32 to index
        %swap3A_240 = arith.index_cast %mul3A_237 : i32 to index
        %swap3A_241 = tpu.vector_load %arg7[%swap3A_239, %swap3A_240] {strides = array<i32>} : memref<32x512xf32, #tpu.memory_space<vmem>>, vector<16xf32>,
        tpu.vector_store %arg7[%swap3A_239, %swap3A_240], %gather3A_235 {strides = array<i32>} : memref<32x512xf32, #tpu.memory_space<vmem>>, vector<16xf32>,
        %add3A_242 = arith.constant 15 : i32
        %add3A_243 = vector.broadcast %add3A_242 : i32 to vector<16xi32>
        %add3A_244 = arith.addi %mul3A_93, %add3A_243 : vector<16xi32>
        %gather3A_245 = tpu.vector_load_idx %arg5[%add3A_244] : memref<8192xf32, #tpu.memory_space<vmem>>[vector<16xi32>], vector<16xf32>,
        %mul3A_246 = arith.constant 16 : i32
        %mul3A_247 = arith.muli %add3A_79, %mul3A_246 : i32
        %swap3A_248 = arith.constant 15 : i32
        %swap3A_249 = arith.index_cast %swap3A_248 : i32 to index
        %swap3A_250 = arith.index_cast %mul3A_247 : i32 to index
        %swap3A_251 = tpu.vector_load %arg7[%swap3A_249, %swap3A_250] {strides = array<i32>} : memref<32x512xf32, #tpu.memory_space<vmem>>, vector<16xf32>,
        tpu.vector_store %arg7[%swap3A_249, %swap3A_250], %gather3A_245 {strides = array<i32>} : memref<32x512xf32, #tpu.memory_space<vmem>>, vector<16xf32>,
        %add3A_252 = arith.constant 16 : i32
        %add3A_253 = vector.broadcast %add3A_252 : i32 to vector<16xi32>
        %add3A_254 = arith.addi %mul3A_93, %add3A_253 : vector<16xi32>
        %gather3A_255 = tpu.vector_load_idx %arg5[%add3A_254] : memref<8192xf32, #tpu.memory_space<vmem>>[vector<16xi32>], vector<16xf32>,
        %mul3A_256 = arith.constant 16 : i32
        %mul3A_257 = arith.muli %add3A_79, %mul3A_256 : i32
        %swap3A_258 = arith.constant 16 : i32
        %swap3A_259 = arith.index_cast %swap3A_258 : i32 to index
        %swap3A_260 = arith.index_cast %mul3A_257 : i32 to index
        %swap3A_261 = tpu.vector_load %arg7[%swap3A_259, %swap3A_260] {strides = array<i32>} : memref<32x512xf32, #tpu.memory_space<vmem>>, vector<16xf32>,
        tpu.vector_store %arg7[%swap3A_259, %swap3A_260], %gather3A_255 {strides = array<i32>} : memref<32x512xf32, #tpu.memory_space<vmem>>, vector<16xf32>,
        %add3A_262 = arith.constant 17 : i32
        %add3A_263 = vector.broadcast %add3A_262 : i32 to vector<16xi32>
        %add3A_264 = arith.addi %mul3A_93, %add3A_263 : vector<16xi32>
        %gather3A_265 = tpu.vector_load_idx %arg5[%add3A_264] : memref<8192xf32, #tpu.memory_space<vmem>>[vector<16xi32>], vector<16xf32>,
        %mul3A_266 = arith.constant 16 : i32
        %mul3A_267 = arith.muli %add3A_79, %mul3A_266 : i32
        %swap3A_268 = arith.constant 17 : i32
        %swap3A_269 = arith.index_cast %swap3A_268 : i32 to index
        %swap3A_270 = arith.index_cast %mul3A_267 : i32 to index
        %swap3A_271 = tpu.vector_load %arg7[%swap3A_269, %swap3A_270] {strides = array<i32>} : memref<32x512xf32, #tpu.memory_space<vmem>>, vector<16xf32>,
        tpu.vector_store %arg7[%swap3A_269, %swap3A_270], %gather3A_265 {strides = array<i32>} : memref<32x512xf32, #tpu.memory_space<vmem>>, vector<16xf32>,
        %add3A_272 = arith.constant 18 : i32
        %add3A_273 = vector.broadcast %add3A_272 : i32 to vector<16xi32>
        %add3A_274 = arith.addi %mul3A_93, %add3A_273 : vector<16xi32>
        %gather3A_275 = tpu.vector_load_idx %arg5[%add3A_274] : memref<8192xf32, #tpu.memory_space<vmem>>[vector<16xi32>], vector<16xf32>,
        %mul3A_276 = arith.constant 16 : i32
        %mul3A_277 = arith.muli %add3A_79, %mul3A_276 : i32
        %swap3A_278 = arith.constant 18 : i32
        %swap3A_279 = arith.index_cast %swap3A_278 : i32 to index
        %swap3A_280 = arith.index_cast %mul3A_277 : i32 to index
        %swap3A_281 = tpu.vector_load %arg7[%swap3A_279, %swap3A_280] {strides = array<i32>} : memref<32x512xf32, #tpu.memory_space<vmem>>, vector<16xf32>,
        tpu.vector_store %arg7[%swap3A_279, %swap3A_280], %gather3A_275 {strides = array<i32>} : memref<32x512xf32, #tpu.memory_space<vmem>>, vector<16xf32>,
        %add3A_282 = arith.constant 19 : i32
        %add3A_283 = vector.broadcast %add3A_282 : i32 to vector<16xi32>
        %add3A_284 = arith.addi %mul3A_93, %add3A_283 : vector<16xi32>
        %gather3A_285 = tpu.vector_load_idx %arg5[%add3A_284] : memref<8192xf32, #tpu.memory_space<vmem>>[vector<16xi32>], vector<16xf32>,
        %mul3A_286 = arith.constant 16 : i32
        %mul3A_287 = arith.muli %add3A_79, %mul3A_286 : i32
        %swap3A_288 = arith.constant 19 : i32
        %swap3A_289 = arith.index_cast %swap3A_288 : i32 to index
        %swap3A_290 = arith.index_cast %mul3A_287 : i32 to index
        %swap3A_291 = tpu.vector_load %arg7[%swap3A_289, %swap3A_290] {strides = array<i32>} : memref<32x512xf32, #tpu.memory_space<vmem>>, vector<16xf32>,
        tpu.vector_store %arg7[%swap3A_289, %swap3A_290], %gather3A_285 {strides = array<i32>} : memref<32x512xf32, #tpu.memory_space<vmem>>, vector<16xf32>,
        %add3A_292 = arith.constant 20 : i32
        %add3A_293 = vector.broadcast %add3A_292 : i32 to vector<16xi32>
        %add3A_294 = arith.addi %mul3A_93, %add3A_293 : vector<16xi32>
        %gather3A_295 = tpu.vector_load_idx %arg5[%add3A_294] : memref<8192xf32, #tpu.memory_space<vmem>>[vector<16xi32>], vector<16xf32>,
        %mul3A_296 = arith.constant 16 : i32
        %mul3A_297 = arith.muli %add3A_79, %mul3A_296 : i32
        %swap3A_298 = arith.constant 20 : i32
        %swap3A_299 = arith.index_cast %swap3A_298 : i32 to index
        %swap3A_300 = arith.index_cast %mul3A_297 : i32 to index
        %swap3A_301 = tpu.vector_load %arg7[%swap3A_299, %swap3A_300] {strides = array<i32>} : memref<32x512xf32, #tpu.memory_space<vmem>>, vector<16xf32>,
        tpu.vector_store %arg7[%swap3A_299, %swap3A_300], %gather3A_295 {strides = array<i32>} : memref<32x512xf32, #tpu.memory_space<vmem>>, vector<16xf32>,
        %add3A_302 = arith.constant 21 : i32
        %add3A_303 = vector.broadcast %add3A_302 : i32 to vector<16xi32>
        %add3A_304 = arith.addi %mul3A_93, %add3A_303 : vector<16xi32>
        %gather3A_305 = tpu.vector_load_idx %arg5[%add3A_304] : memref<8192xf32, #tpu.memory_space<vmem>>[vector<16xi32>], vector<16xf32>,
        %mul3A_306 = arith.constant 16 : i32
        %mul3A_307 = arith.muli %add3A_79, %mul3A_306 : i32
        %swap3A_308 = arith.constant 21 : i32
        %swap3A_309 = arith.index_cast %swap3A_308 : i32 to index
        %swap3A_310 = arith.index_cast %mul3A_307 : i32 to index
        %swap3A_311 = tpu.vector_load %arg7[%swap3A_309, %swap3A_310] {strides = array<i32>} : memref<32x512xf32, #tpu.memory_space<vmem>>, vector<16xf32>,
        tpu.vector_store %arg7[%swap3A_309, %swap3A_310], %gather3A_305 {strides = array<i32>} : memref<32x512xf32, #tpu.memory_space<vmem>>, vector<16xf32>,
        %add3A_312 = arith.constant 22 : i32
        %add3A_313 = vector.broadcast %add3A_312 : i32 to vector<16xi32>
        %add3A_314 = arith.addi %mul3A_93, %add3A_313 : vector<16xi32>
        %gather3A_315 = tpu.vector_load_idx %arg5[%add3A_314] : memref<8192xf32, #tpu.memory_space<vmem>>[vector<16xi32>], vector<16xf32>,
        %mul3A_316 = arith.constant 16 : i32
        %mul3A_317 = arith.muli %add3A_79, %mul3A_316 : i32
        %swap3A_318 = arith.constant 22 : i32
        %swap3A_319 = arith.index_cast %swap3A_318 : i32 to index
        %swap3A_320 = arith.index_cast %mul3A_317 : i32 to index
        %swap3A_321 = tpu.vector_load %arg7[%swap3A_319, %swap3A_320] {strides = array<i32>} : memref<32x512xf32, #tpu.memory_space<vmem>>, vector<16xf32>,
        tpu.vector_store %arg7[%swap3A_319, %swap3A_320], %gather3A_315 {strides = array<i32>} : memref<32x512xf32, #tpu.memory_space<vmem>>, vector<16xf32>,
        %add3A_322 = arith.constant 23 : i32
        %add3A_323 = vector.broadcast %add3A_322 : i32 to vector<16xi32>
        %add3A_324 = arith.addi %mul3A_93, %add3A_323 : vector<16xi32>
        %gather3A_325 = tpu.vector_load_idx %arg5[%add3A_324] : memref<8192xf32, #tpu.memory_space<vmem>>[vector<16xi32>], vector<16xf32>,
        %mul3A_326 = arith.constant 16 : i32
        %mul3A_327 = arith.muli %add3A_79, %mul3A_326 : i32
        %swap3A_328 = arith.constant 23 : i32
        %swap3A_329 = arith.index_cast %swap3A_328 : i32 to index
        %swap3A_330 = arith.index_cast %mul3A_327 : i32 to index
        %swap3A_331 = tpu.vector_load %arg7[%swap3A_329, %swap3A_330] {strides = array<i32>} : memref<32x512xf32, #tpu.memory_space<vmem>>, vector<16xf32>,
        tpu.vector_store %arg7[%swap3A_329, %swap3A_330], %gather3A_325 {strides = array<i32>} : memref<32x512xf32, #tpu.memory_space<vmem>>, vector<16xf32>,
        %add3A_332 = arith.constant 24 : i32
        %add3A_333 = vector.broadcast %add3A_332 : i32 to vector<16xi32>
        %add3A_334 = arith.addi %mul3A_93, %add3A_333 : vector<16xi32>
        %gather3A_335 = tpu.vector_load_idx %arg5[%add3A_334] : memref<8192xf32, #tpu.memory_space<vmem>>[vector<16xi32>], vector<16xf32>,
        %mul3A_336 = arith.constant 16 : i32
        %mul3A_337 = arith.muli %add3A_79, %mul3A_336 : i32
        %swap3A_338 = arith.constant 24 : i32
        %swap3A_339 = arith.index_cast %swap3A_338 : i32 to index
        %swap3A_340 = arith.index_cast %mul3A_337 : i32 to index
        %swap3A_341 = tpu.vector_load %arg7[%swap3A_339, %swap3A_340] {strides = array<i32>} : memref<32x512xf32, #tpu.memory_space<vmem>>, vector<16xf32>,
        tpu.vector_store %arg7[%swap3A_339, %swap3A_340], %gather3A_335 {strides = array<i32>} : memref<32x512xf32, #tpu.memory_space<vmem>>, vector<16xf32>,
        %add3A_342 = arith.constant 25 : i32
        %add3A_343 = vector.broadcast %add3A_342 : i32 to vector<16xi32>
        %add3A_344 = arith.addi %mul3A_93, %add3A_343 : vector<16xi32>
        %gather3A_345 = tpu.vector_load_idx %arg5[%add3A_344] : memref<8192xf32, #tpu.memory_space<vmem>>[vector<16xi32>], vector<16xf32>,
        %mul3A_346 = arith.constant 16 : i32
        %mul3A_347 = arith.muli %add3A_79, %mul3A_346 : i32
        %swap3A_348 = arith.constant 25 : i32
        %swap3A_349 = arith.index_cast %swap3A_348 : i32 to index
        %swap3A_350 = arith.index_cast %mul3A_347 : i32 to index
        %swap3A_351 = tpu.vector_load %arg7[%swap3A_349, %swap3A_350] {strides = array<i32>} : memref<32x512xf32, #tpu.memory_space<vmem>>, vector<16xf32>,
        tpu.vector_store %arg7[%swap3A_349, %swap3A_350], %gather3A_345 {strides = array<i32>} : memref<32x512xf32, #tpu.memory_space<vmem>>, vector<16xf32>,
        %add3A_352 = arith.constant 26 : i32
        %add3A_353 = vector.broadcast %add3A_352 : i32 to vector<16xi32>
        %add3A_354 = arith.addi %mul3A_93, %add3A_353 : vector<16xi32>
        %gather3A_355 = tpu.vector_load_idx %arg5[%add3A_354] : memref<8192xf32, #tpu.memory_space<vmem>>[vector<16xi32>], vector<16xf32>,
        %mul3A_356 = arith.constant 16 : i32
        %mul3A_357 = arith.muli %add3A_79, %mul3A_356 : i32
        %swap3A_358 = arith.constant 26 : i32
        %swap3A_359 = arith.index_cast %swap3A_358 : i32 to index
        %swap3A_360 = arith.index_cast %mul3A_357 : i32 to index
        %swap3A_361 = tpu.vector_load %arg7[%swap3A_359, %swap3A_360] {strides = array<i32>} : memref<32x512xf32, #tpu.memory_space<vmem>>, vector<16xf32>,
        tpu.vector_store %arg7[%swap3A_359, %swap3A_360], %gather3A_355 {strides = array<i32>} : memref<32x512xf32, #tpu.memory_space<vmem>>, vector<16xf32>,
        %add3A_362 = arith.constant 27 : i32
        %add3A_363 = vector.broadcast %add3A_362 : i32 to vector<16xi32>
        %add3A_364 = arith.addi %mul3A_93, %add3A_363 : vector<16xi32>
        %gather3A_365 = tpu.vector_load_idx %arg5[%add3A_364] : memref<8192xf32, #tpu.memory_space<vmem>>[vector<16xi32>], vector<16xf32>,
        %mul3A_366 = arith.constant 16 : i32
        %mul3A_367 = arith.muli %add3A_79, %mul3A_366 : i32
        %swap3A_368 = arith.constant 27 : i32
        %swap3A_369 = arith.index_cast %swap3A_368 : i32 to index
        %swap3A_370 = arith.index_cast %mul3A_367 : i32 to index
        %swap3A_371 = tpu.vector_load %arg7[%swap3A_369, %swap3A_370] {strides = array<i32>} : memref<32x512xf32, #tpu.memory_space<vmem>>, vector<16xf32>,
        tpu.vector_store %arg7[%swap3A_369, %swap3A_370], %gather3A_365 {strides = array<i32>} : memref<32x512xf32, #tpu.memory_space<vmem>>, vector<16xf32>,
        %add3A_372 = arith.constant 28 : i32
        %add3A_373 = vector.broadcast %add3A_372 : i32 to vector<16xi32>
        %add3A_374 = arith.addi %mul3A_93, %add3A_373 : vector<16xi32>
        %gather3A_375 = tpu.vector_load_idx %arg5[%add3A_374] : memref<8192xf32, #tpu.memory_space<vmem>>[vector<16xi32>], vector<16xf32>,
        %mul3A_376 = arith.constant 16 : i32
        %mul3A_377 = arith.muli %add3A_79, %mul3A_376 : i32
        %swap3A_378 = arith.constant 28 : i32
        %swap3A_379 = arith.index_cast %swap3A_378 : i32 to index
        %swap3A_380 = arith.index_cast %mul3A_377 : i32 to index
        %swap3A_381 = tpu.vector_load %arg7[%swap3A_379, %swap3A_380] {strides = array<i32>} : memref<32x512xf32, #tpu.memory_space<vmem>>, vector<16xf32>,
        tpu.vector_store %arg7[%swap3A_379, %swap3A_380], %gather3A_375 {strides = array<i32>} : memref<32x512xf32, #tpu.memory_space<vmem>>, vector<16xf32>,
        %add3A_382 = arith.constant 29 : i32
        %add3A_383 = vector.broadcast %add3A_382 : i32 to vector<16xi32>
        %add3A_384 = arith.addi %mul3A_93, %add3A_383 : vector<16xi32>
        %gather3A_385 = tpu.vector_load_idx %arg5[%add3A_384] : memref<8192xf32, #tpu.memory_space<vmem>>[vector<16xi32>], vector<16xf32>,
        %mul3A_386 = arith.constant 16 : i32
        %mul3A_387 = arith.muli %add3A_79, %mul3A_386 : i32
        %swap3A_388 = arith.constant 29 : i32
        %swap3A_389 = arith.index_cast %swap3A_388 : i32 to index
        %swap3A_390 = arith.index_cast %mul3A_387 : i32 to index
        %swap3A_391 = tpu.vector_load %arg7[%swap3A_389, %swap3A_390] {strides = array<i32>} : memref<32x512xf32, #tpu.memory_space<vmem>>, vector<16xf32>,
        tpu.vector_store %arg7[%swap3A_389, %swap3A_390], %gather3A_385 {strides = array<i32>} : memref<32x512xf32, #tpu.memory_space<vmem>>, vector<16xf32>,
        %add3A_392 = arith.constant 30 : i32
        %add3A_393 = vector.broadcast %add3A_392 : i32 to vector<16xi32>
        %add3A_394 = arith.addi %mul3A_93, %add3A_393 : vector<16xi32>
        %gather3A_395 = tpu.vector_load_idx %arg5[%add3A_394] : memref<8192xf32, #tpu.memory_space<vmem>>[vector<16xi32>], vector<16xf32>,
        %mul3A_396 = arith.constant 16 : i32
        %mul3A_397 = arith.muli %add3A_79, %mul3A_396 : i32
        %swap3A_398 = arith.constant 30 : i32
        %swap3A_399 = arith.index_cast %swap3A_398 : i32 to index
        %swap3A_400 = arith.index_cast %mul3A_397 : i32 to index
        %swap3A_401 = tpu.vector_load %arg7[%swap3A_399, %swap3A_400] {strides = array<i32>} : memref<32x512xf32, #tpu.memory_space<vmem>>, vector<16xf32>,
        tpu.vector_store %arg7[%swap3A_399, %swap3A_400], %gather3A_395 {strides = array<i32>} : memref<32x512xf32, #tpu.memory_space<vmem>>, vector<16xf32>,
        %add3A_402 = arith.constant 31 : i32
        %add3A_403 = vector.broadcast %add3A_402 : i32 to vector<16xi32>
        %add3A_404 = arith.addi %mul3A_93, %add3A_403 : vector<16xi32>
        %gather3A_405 = tpu.vector_load_idx %arg5[%add3A_404] : memref<8192xf32, #tpu.memory_space<vmem>>[vector<16xi32>], vector<16xf32>,
        %mul3A_406 = arith.constant 16 : i32
        %mul3A_407 = arith.muli %add3A_79, %mul3A_406 : i32
        %swap3A_408 = arith.constant 31 : i32
        %swap3A_409 = arith.index_cast %swap3A_408 : i32 to index
        %swap3A_410 = arith.index_cast %mul3A_407 : i32 to index
        %swap3A_411 = tpu.vector_load %arg7[%swap3A_409, %swap3A_410] {strides = array<i32>} : memref<32x512xf32, #tpu.memory_space<vmem>>, vector<16xf32>,
        tpu.vector_store %arg7[%swap3A_409, %swap3A_410], %gather3A_405 {strides = array<i32>} : memref<32x512xf32, #tpu.memory_space<vmem>>, vector<16xf32>,
      }
      %scan3A_39 = arith.constant 32 : i32
      %mul3A_40 = arith.constant 32 : i32
      %mul3A_41 = arith.muli %add3A, %mul3A_40 : i32
      %add3A_42 = arith.addi %mul3A_41, %shift_right_arithmetic3A_29 : i32
      %dma_start3A = arith.constant 0 : i32
      %dma_start3A_43 = tpu.memref_slice %arg4[%add3A_42, %dma_start3A, %mul3A_32] : memref<1024x32x1024xf32, #tpu.memory_space<hbm>> -> memref<1x32x512xf32, #tpu.memory_space<hbm>>
      %dma_start3A_44 = tpu.memref_squeeze %dma_start3A_43 : memref<1x32x512xf32, #tpu.memory_space<hbm>> -> memref<32x512xf32, #tpu.memory_space<hbm>>
      %dma_start3A_45 = arith.constant 0 : i32
      %dma_start3A_46 = tpu.memref_slice %arg4[%add3A_42, %dma_start3A_45, %mul3A_32] : memref<1024x32x1024xf32, #tpu.memory_space<hbm>> -> memref<1x32x512xf32, #tpu.memory_space<hbm>>
      %dma_start3A_47 = tpu.memref_squeeze %dma_start3A_46 : memref<1x32x512xf32, #tpu.memory_space<hbm>> -> memref<32x512xf32, #tpu.memory_space<hbm>>
      tpu.enqueue_dma source(%arg7 : memref<32x512xf32, #tpu.memory_space<vmem>>) target(%dma_start3A_47 : memref<32x512xf32, #tpu.memory_space<hbm>>) target_semaphore(%arg9 : memref<!tpu.dma_semaphore, #tpu.memory_space<semaphore_mem>>)
      %add3A_48 = arith.constant 1 : i32
      %add3A_49 = arith.addi %add3A_26, %add3A_48 : i32
      %shift_right_arithmetic3A_50 = arith.constant 1 : i32
      %shift_right_arithmetic3A_51 = arith.shrsi %add3A_49, %shift_right_arithmetic3A_50 : i32
      %and3A_52 = arith.constant 1 : i32
      %and3A_53 = arith.andi %add3A_49, %and3A_52 : i32
      %mul3A_54 = arith.constant 512 : i32
      %mul3A_55 = arith.muli %and3A_53, %mul3A_54 : i32
      %ge3A_56 = arith.constant 2 : i32
      %ge3A_57 = arith.cmpi sge, %add3A_26, %ge3A_56 : i32
      %convert_element_type3A_58 = arith.extui %ge3A_57 : i1 to i32
      %cond3A_59 = arith.constant 0 : i32
      %cond3A_60 = arith.cmpi ne, %convert_element_type3A_58, %cond3A_59 : i32
      scf.if %cond3A_60 {
        %dma_wait3A_75 = arith.constant 0 : i32
        %dma_wait3A_76 = arith.constant 0 : i32
        %dma_wait3A_77 = arith.constant 0 : i32
        %dma_wait3A_78 = tpu.memref_slice %arg4[%dma_wait3A_75, %dma_wait3A_76, %dma_wait3A_77] : memref<1024x32x1024xf32, #tpu.memory_space<hbm>> -> memref<1x32x512xf32, #tpu.memory_space<hbm>>
        %dma_wait3A_79 = tpu.memref_squeeze %dma_wait3A_78 : memref<1x32x512xf32, #tpu.memory_space<hbm>> -> memref<32x512xf32, #tpu.memory_space<hbm>>
        %dma_wait3A_80 = arith.constant 0 : i32
        %dma_wait3A_81 = arith.constant 0 : i32
        %dma_wait3A_82 = tpu.memref_slice %arg4[%dma_wait3A_75, %dma_wait3A_80, %dma_wait3A_81] : memref<1024x32x1024xf32, #tpu.memory_space<hbm>> -> memref<1x32x512xf32, #tpu.memory_space<hbm>>
        %dma_wait3A_83 = tpu.memref_squeeze %dma_wait3A_82 : memref<1x32x512xf32, #tpu.memory_space<hbm>> -> memref<32x512xf32, #tpu.memory_space<hbm>>
        tpu.wait_dma2 semaphore(%arg10 : memref<!tpu.dma_semaphore, #tpu.memory_space<semaphore_mem>>) src(%arg8 : memref<32x512xf32, #tpu.memory_space<vmem>>) dst(%dma_wait3A_83 : memref<32x512xf32, #tpu.memory_space<hbm>>)
      } else {
      }
      %scan3A_61 = arith.constant 0 : i32
      %scan3A_62 = arith.constant 32 : i32
      %scan3A_63 = arith.addi %scan3A_61, %scan3A_62 : i32
      %scan3A_64 = arith.constant 1 : i32
      scf.for %scan3A_75 = %scan3A_61 to %scan3A_63 step %scan3A_64  : i32 {
        %mul3A_76 = arith.constant 1 : i32
        %mul3A_77 = arith.muli %scan3A_75, %mul3A_76 : i32
        %add3A_78 = arith.constant 0 : i32
        %add3A_79 = arith.addi %add3A_78, %mul3A_77 : i32
        %mul3A_80 = arith.constant 4 : i32
        %mul3A_81 = arith.muli %add3A_49, %mul3A_80 : i32
        %shift_right_arithmetic3A_82 = arith.constant 3 : i32
        %shift_right_arithmetic3A_83 = arith.shrsi %add3A_79, %shift_right_arithmetic3A_82 : i32
        %add3A_84 = arith.addi %mul3A_81, %shift_right_arithmetic3A_83 : i32
        %and3A_85 = arith.constant 7 : i32
        %and3A_86 = arith.andi %add3A_79, %and3A_85 : i32
        %mul3A_87 = arith.constant 16 : i32
        %mul3A_88 = arith.muli %and3A_86, %mul3A_87 : i32
        %get3A = arith.index_cast %add3A_84 : i32 to index
        %get3A_89 = arith.index_cast %mul3A_88 : i32 to index
        %get3A_90 = tpu.vector_load %arg6[%get3A, %get3A_89] {strides = array<i32>} : memref<256x128xi32, #tpu.memory_space<vmem>>, vector<16xi32>,
        %mul3A_91 = arith.constant 32 : i32
        %mul3A_92 = vector.broadcast %mul3A_91 : i32 to vector<16xi32>
        %mul3A_93 = arith.muli %get3A_90, %mul3A_92 : vector<16xi32>
        %add3A_94 = arith.constant 0 : i32
        %add3A_95 = vector.broadcast %add3A_94 : i32 to vector<16xi32>
        %add3A_96 = arith.addi %mul3A_93, %add3A_95 : vector<16xi32>
        %gather3A = tpu.vector_load_idx %arg5[%add3A_96] : memref<8192xf32, #tpu.memory_space<vmem>>[vector<16xi32>], vector<16xf32>,
        %mul3A_97 = arith.constant 16 : i32
        %mul3A_98 = arith.muli %add3A_79, %mul3A_97 : i32
        %swap3A = arith.constant 0 : i32
        %swap3A_99 = arith.index_cast %swap3A : i32 to index
        %swap3A_100 = arith.index_cast %mul3A_98 : i32 to index
        %swap3A_101 = tpu.vector_load %arg8[%swap3A_99, %swap3A_100] {strides = array<i32>} : memref<32x512xf32, #tpu.memory_space<vmem>>, vector<16xf32>,
        tpu.vector_store %arg8[%swap3A_99, %swap3A_100], %gather3A {strides = array<i32>} : memref<32x512xf32, #tpu.memory_space<vmem>>, vector<16xf32>,
        %add3A_102 = arith.constant 1 : i32
        %add3A_103 = vector.broadcast %add3A_102 : i32 to vector<16xi32>
        %add3A_104 = arith.addi %mul3A_93, %add3A_103 : vector<16xi32>
        %gather3A_105 = tpu.vector_load_idx %arg5[%add3A_104] : memref<8192xf32, #tpu.memory_space<vmem>>[vector<16xi32>], vector<16xf32>,
        %mul3A_106 = arith.constant 16 : i32
        %mul3A_107 = arith.muli %add3A_79, %mul3A_106 : i32
        %swap3A_108 = arith.constant 1 : i32
        %swap3A_109 = arith.index_cast %swap3A_108 : i32 to index
        %swap3A_110 = arith.index_cast %mul3A_107 : i32 to index
        %swap3A_111 = tpu.vector_load %arg8[%swap3A_109, %swap3A_110] {strides = array<i32>} : memref<32x512xf32, #tpu.memory_space<vmem>>, vector<16xf32>,
        tpu.vector_store %arg8[%swap3A_109, %swap3A_110], %gather3A_105 {strides = array<i32>} : memref<32x512xf32, #tpu.memory_space<vmem>>, vector<16xf32>,
        %add3A_112 = arith.constant 2 : i32
        %add3A_113 = vector.broadcast %add3A_112 : i32 to vector<16xi32>
        %add3A_114 = arith.addi %mul3A_93, %add3A_113 : vector<16xi32>
        %gather3A_115 = tpu.vector_load_idx %arg5[%add3A_114] : memref<8192xf32, #tpu.memory_space<vmem>>[vector<16xi32>], vector<16xf32>,
        %mul3A_116 = arith.constant 16 : i32
        %mul3A_117 = arith.muli %add3A_79, %mul3A_116 : i32
        %swap3A_118 = arith.constant 2 : i32
        %swap3A_119 = arith.index_cast %swap3A_118 : i32 to index
        %swap3A_120 = arith.index_cast %mul3A_117 : i32 to index
        %swap3A_121 = tpu.vector_load %arg8[%swap3A_119, %swap3A_120] {strides = array<i32>} : memref<32x512xf32, #tpu.memory_space<vmem>>, vector<16xf32>,
        tpu.vector_store %arg8[%swap3A_119, %swap3A_120], %gather3A_115 {strides = array<i32>} : memref<32x512xf32, #tpu.memory_space<vmem>>, vector<16xf32>,
        %add3A_122 = arith.constant 3 : i32
        %add3A_123 = vector.broadcast %add3A_122 : i32 to vector<16xi32>
        %add3A_124 = arith.addi %mul3A_93, %add3A_123 : vector<16xi32>
        %gather3A_125 = tpu.vector_load_idx %arg5[%add3A_124] : memref<8192xf32, #tpu.memory_space<vmem>>[vector<16xi32>], vector<16xf32>,
        %mul3A_126 = arith.constant 16 : i32
        %mul3A_127 = arith.muli %add3A_79, %mul3A_126 : i32
        %swap3A_128 = arith.constant 3 : i32
        %swap3A_129 = arith.index_cast %swap3A_128 : i32 to index
        %swap3A_130 = arith.index_cast %mul3A_127 : i32 to index
        %swap3A_131 = tpu.vector_load %arg8[%swap3A_129, %swap3A_130] {strides = array<i32>} : memref<32x512xf32, #tpu.memory_space<vmem>>, vector<16xf32>,
        tpu.vector_store %arg8[%swap3A_129, %swap3A_130], %gather3A_125 {strides = array<i32>} : memref<32x512xf32, #tpu.memory_space<vmem>>, vector<16xf32>,
        %add3A_132 = arith.constant 4 : i32
        %add3A_133 = vector.broadcast %add3A_132 : i32 to vector<16xi32>
        %add3A_134 = arith.addi %mul3A_93, %add3A_133 : vector<16xi32>
        %gather3A_135 = tpu.vector_load_idx %arg5[%add3A_134] : memref<8192xf32, #tpu.memory_space<vmem>>[vector<16xi32>], vector<16xf32>,
        %mul3A_136 = arith.constant 16 : i32
        %mul3A_137 = arith.muli %add3A_79, %mul3A_136 : i32
        %swap3A_138 = arith.constant 4 : i32
        %swap3A_139 = arith.index_cast %swap3A_138 : i32 to index
        %swap3A_140 = arith.index_cast %mul3A_137 : i32 to index
        %swap3A_141 = tpu.vector_load %arg8[%swap3A_139, %swap3A_140] {strides = array<i32>} : memref<32x512xf32, #tpu.memory_space<vmem>>, vector<16xf32>,
        tpu.vector_store %arg8[%swap3A_139, %swap3A_140], %gather3A_135 {strides = array<i32>} : memref<32x512xf32, #tpu.memory_space<vmem>>, vector<16xf32>,
        %add3A_142 = arith.constant 5 : i32
        %add3A_143 = vector.broadcast %add3A_142 : i32 to vector<16xi32>
        %add3A_144 = arith.addi %mul3A_93, %add3A_143 : vector<16xi32>
        %gather3A_145 = tpu.vector_load_idx %arg5[%add3A_144] : memref<8192xf32, #tpu.memory_space<vmem>>[vector<16xi32>], vector<16xf32>,
        %mul3A_146 = arith.constant 16 : i32
        %mul3A_147 = arith.muli %add3A_79, %mul3A_146 : i32
        %swap3A_148 = arith.constant 5 : i32
        %swap3A_149 = arith.index_cast %swap3A_148 : i32 to index
        %swap3A_150 = arith.index_cast %mul3A_147 : i32 to index
        %swap3A_151 = tpu.vector_load %arg8[%swap3A_149, %swap3A_150] {strides = array<i32>} : memref<32x512xf32, #tpu.memory_space<vmem>>, vector<16xf32>,
        tpu.vector_store %arg8[%swap3A_149, %swap3A_150], %gather3A_145 {strides = array<i32>} : memref<32x512xf32, #tpu.memory_space<vmem>>, vector<16xf32>,
        %add3A_152 = arith.constant 6 : i32
        %add3A_153 = vector.broadcast %add3A_152 : i32 to vector<16xi32>
        %add3A_154 = arith.addi %mul3A_93, %add3A_153 : vector<16xi32>
        %gather3A_155 = tpu.vector_load_idx %arg5[%add3A_154] : memref<8192xf32, #tpu.memory_space<vmem>>[vector<16xi32>], vector<16xf32>,
        %mul3A_156 = arith.constant 16 : i32
        %mul3A_157 = arith.muli %add3A_79, %mul3A_156 : i32
        %swap3A_158 = arith.constant 6 : i32
        %swap3A_159 = arith.index_cast %swap3A_158 : i32 to index
        %swap3A_160 = arith.index_cast %mul3A_157 : i32 to index
        %swap3A_161 = tpu.vector_load %arg8[%swap3A_159, %swap3A_160] {strides = array<i32>} : memref<32x512xf32, #tpu.memory_space<vmem>>, vector<16xf32>,
        tpu.vector_store %arg8[%swap3A_159, %swap3A_160], %gather3A_155 {strides = array<i32>} : memref<32x512xf32, #tpu.memory_space<vmem>>, vector<16xf32>,
        %add3A_162 = arith.constant 7 : i32
        %add3A_163 = vector.broadcast %add3A_162 : i32 to vector<16xi32>
        %add3A_164 = arith.addi %mul3A_93, %add3A_163 : vector<16xi32>
        %gather3A_165 = tpu.vector_load_idx %arg5[%add3A_164] : memref<8192xf32, #tpu.memory_space<vmem>>[vector<16xi32>], vector<16xf32>,
        %mul3A_166 = arith.constant 16 : i32
        %mul3A_167 = arith.muli %add3A_79, %mul3A_166 : i32
        %swap3A_168 = arith.constant 7 : i32
        %swap3A_169 = arith.index_cast %swap3A_168 : i32 to index
        %swap3A_170 = arith.index_cast %mul3A_167 : i32 to index
        %swap3A_171 = tpu.vector_load %arg8[%swap3A_169, %swap3A_170] {strides = array<i32>} : memref<32x512xf32, #tpu.memory_space<vmem>>, vector<16xf32>,
        tpu.vector_store %arg8[%swap3A_169, %swap3A_170], %gather3A_165 {strides = array<i32>} : memref<32x512xf32, #tpu.memory_space<vmem>>, vector<16xf32>,
        %add3A_172 = arith.constant 8 : i32
        %add3A_173 = vector.broadcast %add3A_172 : i32 to vector<16xi32>
        %add3A_174 = arith.addi %mul3A_93, %add3A_173 : vector<16xi32>
        %gather3A_175 = tpu.vector_load_idx %arg5[%add3A_174] : memref<8192xf32, #tpu.memory_space<vmem>>[vector<16xi32>], vector<16xf32>,
        %mul3A_176 = arith.constant 16 : i32
        %mul3A_177 = arith.muli %add3A_79, %mul3A_176 : i32
        %swap3A_178 = arith.constant 8 : i32
        %swap3A_179 = arith.index_cast %swap3A_178 : i32 to index
        %swap3A_180 = arith.index_cast %mul3A_177 : i32 to index
        %swap3A_181 = tpu.vector_load %arg8[%swap3A_179, %swap3A_180] {strides = array<i32>} : memref<32x512xf32, #tpu.memory_space<vmem>>, vector<16xf32>,
        tpu.vector_store %arg8[%swap3A_179, %swap3A_180], %gather3A_175 {strides = array<i32>} : memref<32x512xf32, #tpu.memory_space<vmem>>, vector<16xf32>,
        %add3A_182 = arith.constant 9 : i32
        %add3A_183 = vector.broadcast %add3A_182 : i32 to vector<16xi32>
        %add3A_184 = arith.addi %mul3A_93, %add3A_183 : vector<16xi32>
        %gather3A_185 = tpu.vector_load_idx %arg5[%add3A_184] : memref<8192xf32, #tpu.memory_space<vmem>>[vector<16xi32>], vector<16xf32>,
        %mul3A_186 = arith.constant 16 : i32
        %mul3A_187 = arith.muli %add3A_79, %mul3A_186 : i32
        %swap3A_188 = arith.constant 9 : i32
        %swap3A_189 = arith.index_cast %swap3A_188 : i32 to index
        %swap3A_190 = arith.index_cast %mul3A_187 : i32 to index
        %swap3A_191 = tpu.vector_load %arg8[%swap3A_189, %swap3A_190] {strides = array<i32>} : memref<32x512xf32, #tpu.memory_space<vmem>>, vector<16xf32>,
        tpu.vector_store %arg8[%swap3A_189, %swap3A_190], %gather3A_185 {strides = array<i32>} : memref<32x512xf32, #tpu.memory_space<vmem>>, vector<16xf32>,
        %add3A_192 = arith.constant 10 : i32
        %add3A_193 = vector.broadcast %add3A_192 : i32 to vector<16xi32>
        %add3A_194 = arith.addi %mul3A_93, %add3A_193 : vector<16xi32>
        %gather3A_195 = tpu.vector_load_idx %arg5[%add3A_194] : memref<8192xf32, #tpu.memory_space<vmem>>[vector<16xi32>], vector<16xf32>,
        %mul3A_196 = arith.constant 16 : i32
        %mul3A_197 = arith.muli %add3A_79, %mul3A_196 : i32
        %swap3A_198 = arith.constant 10 : i32
        %swap3A_199 = arith.index_cast %swap3A_198 : i32 to index
        %swap3A_200 = arith.index_cast %mul3A_197 : i32 to index
        %swap3A_201 = tpu.vector_load %arg8[%swap3A_199, %swap3A_200] {strides = array<i32>} : memref<32x512xf32, #tpu.memory_space<vmem>>, vector<16xf32>,
        tpu.vector_store %arg8[%swap3A_199, %swap3A_200], %gather3A_195 {strides = array<i32>} : memref<32x512xf32, #tpu.memory_space<vmem>>, vector<16xf32>,
        %add3A_202 = arith.constant 11 : i32
        %add3A_203 = vector.broadcast %add3A_202 : i32 to vector<16xi32>
        %add3A_204 = arith.addi %mul3A_93, %add3A_203 : vector<16xi32>
        %gather3A_205 = tpu.vector_load_idx %arg5[%add3A_204] : memref<8192xf32, #tpu.memory_space<vmem>>[vector<16xi32>], vector<16xf32>,
        %mul3A_206 = arith.constant 16 : i32
        %mul3A_207 = arith.muli %add3A_79, %mul3A_206 : i32
        %swap3A_208 = arith.constant 11 : i32
        %swap3A_209 = arith.index_cast %swap3A_208 : i32 to index
        %swap3A_210 = arith.index_cast %mul3A_207 : i32 to index
        %swap3A_211 = tpu.vector_load %arg8[%swap3A_209, %swap3A_210] {strides = array<i32>} : memref<32x512xf32, #tpu.memory_space<vmem>>, vector<16xf32>,
        tpu.vector_store %arg8[%swap3A_209, %swap3A_210], %gather3A_205 {strides = array<i32>} : memref<32x512xf32, #tpu.memory_space<vmem>>, vector<16xf32>,
        %add3A_212 = arith.constant 12 : i32
        %add3A_213 = vector.broadcast %add3A_212 : i32 to vector<16xi32>
        %add3A_214 = arith.addi %mul3A_93, %add3A_213 : vector<16xi32>
        %gather3A_215 = tpu.vector_load_idx %arg5[%add3A_214] : memref<8192xf32, #tpu.memory_space<vmem>>[vector<16xi32>], vector<16xf32>,
        %mul3A_216 = arith.constant 16 : i32
        %mul3A_217 = arith.muli %add3A_79, %mul3A_216 : i32
        %swap3A_218 = arith.constant 12 : i32
        %swap3A_219 = arith.index_cast %swap3A_218 : i32 to index
        %swap3A_220 = arith.index_cast %mul3A_217 : i32 to index
        %swap3A_221 = tpu.vector_load %arg8[%swap3A_219, %swap3A_220] {strides = array<i32>} : memref<32x512xf32, #tpu.memory_space<vmem>>, vector<16xf32>,
        tpu.vector_store %arg8[%swap3A_219, %swap3A_220], %gather3A_215 {strides = array<i32>} : memref<32x512xf32, #tpu.memory_space<vmem>>, vector<16xf32>,
        %add3A_222 = arith.constant 13 : i32
        %add3A_223 = vector.broadcast %add3A_222 : i32 to vector<16xi32>
        %add3A_224 = arith.addi %mul3A_93, %add3A_223 : vector<16xi32>
        %gather3A_225 = tpu.vector_load_idx %arg5[%add3A_224] : memref<8192xf32, #tpu.memory_space<vmem>>[vector<16xi32>], vector<16xf32>,
        %mul3A_226 = arith.constant 16 : i32
        %mul3A_227 = arith.muli %add3A_79, %mul3A_226 : i32
        %swap3A_228 = arith.constant 13 : i32
        %swap3A_229 = arith.index_cast %swap3A_228 : i32 to index
        %swap3A_230 = arith.index_cast %mul3A_227 : i32 to index
        %swap3A_231 = tpu.vector_load %arg8[%swap3A_229, %swap3A_230] {strides = array<i32>} : memref<32x512xf32, #tpu.memory_space<vmem>>, vector<16xf32>,
        tpu.vector_store %arg8[%swap3A_229, %swap3A_230], %gather3A_225 {strides = array<i32>} : memref<32x512xf32, #tpu.memory_space<vmem>>, vector<16xf32>,
        %add3A_232 = arith.constant 14 : i32
        %add3A_233 = vector.broadcast %add3A_232 : i32 to vector<16xi32>
        %add3A_234 = arith.addi %mul3A_93, %add3A_233 : vector<16xi32>
        %gather3A_235 = tpu.vector_load_idx %arg5[%add3A_234] : memref<8192xf32, #tpu.memory_space<vmem>>[vector<16xi32>], vector<16xf32>,
        %mul3A_236 = arith.constant 16 : i32
        %mul3A_237 = arith.muli %add3A_79, %mul3A_236 : i32
        %swap3A_238 = arith.constant 14 : i32
        %swap3A_239 = arith.index_cast %swap3A_238 : i32 to index
        %swap3A_240 = arith.index_cast %mul3A_237 : i32 to index
        %swap3A_241 = tpu.vector_load %arg8[%swap3A_239, %swap3A_240] {strides = array<i32>} : memref<32x512xf32, #tpu.memory_space<vmem>>, vector<16xf32>,
        tpu.vector_store %arg8[%swap3A_239, %swap3A_240], %gather3A_235 {strides = array<i32>} : memref<32x512xf32, #tpu.memory_space<vmem>>, vector<16xf32>,
        %add3A_242 = arith.constant 15 : i32
        %add3A_243 = vector.broadcast %add3A_242 : i32 to vector<16xi32>
        %add3A_244 = arith.addi %mul3A_93, %add3A_243 : vector<16xi32>
        %gather3A_245 = tpu.vector_load_idx %arg5[%add3A_244] : memref<8192xf32, #tpu.memory_space<vmem>>[vector<16xi32>], vector<16xf32>,
        %mul3A_246 = arith.constant 16 : i32
        %mul3A_247 = arith.muli %add3A_79, %mul3A_246 : i32
        %swap3A_248 = arith.constant 15 : i32
        %swap3A_249 = arith.index_cast %swap3A_248 : i32 to index
        %swap3A_250 = arith.index_cast %mul3A_247 : i32 to index
        %swap3A_251 = tpu.vector_load %arg8[%swap3A_249, %swap3A_250] {strides = array<i32>} : memref<32x512xf32, #tpu.memory_space<vmem>>, vector<16xf32>,
        tpu.vector_store %arg8[%swap3A_249, %swap3A_250], %gather3A_245 {strides = array<i32>} : memref<32x512xf32, #tpu.memory_space<vmem>>, vector<16xf32>,
        %add3A_252 = arith.constant 16 : i32
        %add3A_253 = vector.broadcast %add3A_252 : i32 to vector<16xi32>
        %add3A_254 = arith.addi %mul3A_93, %add3A_253 : vector<16xi32>
        %gather3A_255 = tpu.vector_load_idx %arg5[%add3A_254] : memref<8192xf32, #tpu.memory_space<vmem>>[vector<16xi32>], vector<16xf32>,
        %mul3A_256 = arith.constant 16 : i32
        %mul3A_257 = arith.muli %add3A_79, %mul3A_256 : i32
        %swap3A_258 = arith.constant 16 : i32
        %swap3A_259 = arith.index_cast %swap3A_258 : i32 to index
        %swap3A_260 = arith.index_cast %mul3A_257 : i32 to index
        %swap3A_261 = tpu.vector_load %arg8[%swap3A_259, %swap3A_260] {strides = array<i32>} : memref<32x512xf32, #tpu.memory_space<vmem>>, vector<16xf32>,
        tpu.vector_store %arg8[%swap3A_259, %swap3A_260], %gather3A_255 {strides = array<i32>} : memref<32x512xf32, #tpu.memory_space<vmem>>, vector<16xf32>,
        %add3A_262 = arith.constant 17 : i32
        %add3A_263 = vector.broadcast %add3A_262 : i32 to vector<16xi32>
        %add3A_264 = arith.addi %mul3A_93, %add3A_263 : vector<16xi32>
        %gather3A_265 = tpu.vector_load_idx %arg5[%add3A_264] : memref<8192xf32, #tpu.memory_space<vmem>>[vector<16xi32>], vector<16xf32>,
        %mul3A_266 = arith.constant 16 : i32
        %mul3A_267 = arith.muli %add3A_79, %mul3A_266 : i32
        %swap3A_268 = arith.constant 17 : i32
        %swap3A_269 = arith.index_cast %swap3A_268 : i32 to index
        %swap3A_270 = arith.index_cast %mul3A_267 : i32 to index
        %swap3A_271 = tpu.vector_load %arg8[%swap3A_269, %swap3A_270] {strides = array<i32>} : memref<32x512xf32, #tpu.memory_space<vmem>>, vector<16xf32>,
        tpu.vector_store %arg8[%swap3A_269, %swap3A_270], %gather3A_265 {strides = array<i32>} : memref<32x512xf32, #tpu.memory_space<vmem>>, vector<16xf32>,
        %add3A_272 = arith.constant 18 : i32
        %add3A_273 = vector.broadcast %add3A_272 : i32 to vector<16xi32>
        %add3A_274 = arith.addi %mul3A_93, %add3A_273 : vector<16xi32>
        %gather3A_275 = tpu.vector_load_idx %arg5[%add3A_274] : memref<8192xf32, #tpu.memory_space<vmem>>[vector<16xi32>], vector<16xf32>,
        %mul3A_276 = arith.constant 16 : i32
        %mul3A_277 = arith.muli %add3A_79, %mul3A_276 : i32
        %swap3A_278 = arith.constant 18 : i32
        %swap3A_279 = arith.index_cast %swap3A_278 : i32 to index
        %swap3A_280 = arith.index_cast %mul3A_277 : i32 to index
        %swap3A_281 = tpu.vector_load %arg8[%swap3A_279, %swap3A_280] {strides = array<i32>} : memref<32x512xf32, #tpu.memory_space<vmem>>, vector<16xf32>,
        tpu.vector_store %arg8[%swap3A_279, %swap3A_280], %gather3A_275 {strides = array<i32>} : memref<32x512xf32, #tpu.memory_space<vmem>>, vector<16xf32>,
        %add3A_282 = arith.constant 19 : i32
        %add3A_283 = vector.broadcast %add3A_282 : i32 to vector<16xi32>
        %add3A_284 = arith.addi %mul3A_93, %add3A_283 : vector<16xi32>
        %gather3A_285 = tpu.vector_load_idx %arg5[%add3A_284] : memref<8192xf32, #tpu.memory_space<vmem>>[vector<16xi32>], vector<16xf32>,
        %mul3A_286 = arith.constant 16 : i32
        %mul3A_287 = arith.muli %add3A_79, %mul3A_286 : i32
        %swap3A_288 = arith.constant 19 : i32
        %swap3A_289 = arith.index_cast %swap3A_288 : i32 to index
        %swap3A_290 = arith.index_cast %mul3A_287 : i32 to index
        %swap3A_291 = tpu.vector_load %arg8[%swap3A_289, %swap3A_290] {strides = array<i32>} : memref<32x512xf32, #tpu.memory_space<vmem>>, vector<16xf32>,
        tpu.vector_store %arg8[%swap3A_289, %swap3A_290], %gather3A_285 {strides = array<i32>} : memref<32x512xf32, #tpu.memory_space<vmem>>, vector<16xf32>,
        %add3A_292 = arith.constant 20 : i32
        %add3A_293 = vector.broadcast %add3A_292 : i32 to vector<16xi32>
        %add3A_294 = arith.addi %mul3A_93, %add3A_293 : vector<16xi32>
        %gather3A_295 = tpu.vector_load_idx %arg5[%add3A_294] : memref<8192xf32, #tpu.memory_space<vmem>>[vector<16xi32>], vector<16xf32>,
        %mul3A_296 = arith.constant 16 : i32
        %mul3A_297 = arith.muli %add3A_79, %mul3A_296 : i32
        %swap3A_298 = arith.constant 20 : i32
        %swap3A_299 = arith.index_cast %swap3A_298 : i32 to index
        %swap3A_300 = arith.index_cast %mul3A_297 : i32 to index
        %swap3A_301 = tpu.vector_load %arg8[%swap3A_299, %swap3A_300] {strides = array<i32>} : memref<32x512xf32, #tpu.memory_space<vmem>>, vector<16xf32>,
        tpu.vector_store %arg8[%swap3A_299, %swap3A_300], %gather3A_295 {strides = array<i32>} : memref<32x512xf32, #tpu.memory_space<vmem>>, vector<16xf32>,
        %add3A_302 = arith.constant 21 : i32
        %add3A_303 = vector.broadcast %add3A_302 : i32 to vector<16xi32>
        %add3A_304 = arith.addi %mul3A_93, %add3A_303 : vector<16xi32>
        %gather3A_305 = tpu.vector_load_idx %arg5[%add3A_304] : memref<8192xf32, #tpu.memory_space<vmem>>[vector<16xi32>], vector<16xf32>,
        %mul3A_306 = arith.constant 16 : i32
        %mul3A_307 = arith.muli %add3A_79, %mul3A_306 : i32
        %swap3A_308 = arith.constant 21 : i32
        %swap3A_309 = arith.index_cast %swap3A_308 : i32 to index
        %swap3A_310 = arith.index_cast %mul3A_307 : i32 to index
        %swap3A_311 = tpu.vector_load %arg8[%swap3A_309, %swap3A_310] {strides = array<i32>} : memref<32x512xf32, #tpu.memory_space<vmem>>, vector<16xf32>,
        tpu.vector_store %arg8[%swap3A_309, %swap3A_310], %gather3A_305 {strides = array<i32>} : memref<32x512xf32, #tpu.memory_space<vmem>>, vector<16xf32>,
        %add3A_312 = arith.constant 22 : i32
        %add3A_313 = vector.broadcast %add3A_312 : i32 to vector<16xi32>
        %add3A_314 = arith.addi %mul3A_93, %add3A_313 : vector<16xi32>
        %gather3A_315 = tpu.vector_load_idx %arg5[%add3A_314] : memref<8192xf32, #tpu.memory_space<vmem>>[vector<16xi32>], vector<16xf32>,
        %mul3A_316 = arith.constant 16 : i32
        %mul3A_317 = arith.muli %add3A_79, %mul3A_316 : i32
        %swap3A_318 = arith.constant 22 : i32
        %swap3A_319 = arith.index_cast %swap3A_318 : i32 to index
        %swap3A_320 = arith.index_cast %mul3A_317 : i32 to index
        %swap3A_321 = tpu.vector_load %arg8[%swap3A_319, %swap3A_320] {strides = array<i32>} : memref<32x512xf32, #tpu.memory_space<vmem>>, vector<16xf32>,
        tpu.vector_store %arg8[%swap3A_319, %swap3A_320], %gather3A_315 {strides = array<i32>} : memref<32x512xf32, #tpu.memory_space<vmem>>, vector<16xf32>,
        %add3A_322 = arith.constant 23 : i32
        %add3A_323 = vector.broadcast %add3A_322 : i32 to vector<16xi32>
        %add3A_324 = arith.addi %mul3A_93, %add3A_323 : vector<16xi32>
        %gather3A_325 = tpu.vector_load_idx %arg5[%add3A_324] : memref<8192xf32, #tpu.memory_space<vmem>>[vector<16xi32>], vector<16xf32>,
        %mul3A_326 = arith.constant 16 : i32
        %mul3A_327 = arith.muli %add3A_79, %mul3A_326 : i32
        %swap3A_328 = arith.constant 23 : i32
        %swap3A_329 = arith.index_cast %swap3A_328 : i32 to index
        %swap3A_330 = arith.index_cast %mul3A_327 : i32 to index
        %swap3A_331 = tpu.vector_load %arg8[%swap3A_329, %swap3A_330] {strides = array<i32>} : memref<32x512xf32, #tpu.memory_space<vmem>>, vector<16xf32>,
        tpu.vector_store %arg8[%swap3A_329, %swap3A_330], %gather3A_325 {strides = array<i32>} : memref<32x512xf32, #tpu.memory_space<vmem>>, vector<16xf32>,
        %add3A_332 = arith.constant 24 : i32
        %add3A_333 = vector.broadcast %add3A_332 : i32 to vector<16xi32>
        %add3A_334 = arith.addi %mul3A_93, %add3A_333 : vector<16xi32>
        %gather3A_335 = tpu.vector_load_idx %arg5[%add3A_334] : memref<8192xf32, #tpu.memory_space<vmem>>[vector<16xi32>], vector<16xf32>,
        %mul3A_336 = arith.constant 16 : i32
        %mul3A_337 = arith.muli %add3A_79, %mul3A_336 : i32
        %swap3A_338 = arith.constant 24 : i32
        %swap3A_339 = arith.index_cast %swap3A_338 : i32 to index
        %swap3A_340 = arith.index_cast %mul3A_337 : i32 to index
        %swap3A_341 = tpu.vector_load %arg8[%swap3A_339, %swap3A_340] {strides = array<i32>} : memref<32x512xf32, #tpu.memory_space<vmem>>, vector<16xf32>,
        tpu.vector_store %arg8[%swap3A_339, %swap3A_340], %gather3A_335 {strides = array<i32>} : memref<32x512xf32, #tpu.memory_space<vmem>>, vector<16xf32>,
        %add3A_342 = arith.constant 25 : i32
        %add3A_343 = vector.broadcast %add3A_342 : i32 to vector<16xi32>
        %add3A_344 = arith.addi %mul3A_93, %add3A_343 : vector<16xi32>
        %gather3A_345 = tpu.vector_load_idx %arg5[%add3A_344] : memref<8192xf32, #tpu.memory_space<vmem>>[vector<16xi32>], vector<16xf32>,
        %mul3A_346 = arith.constant 16 : i32
        %mul3A_347 = arith.muli %add3A_79, %mul3A_346 : i32
        %swap3A_348 = arith.constant 25 : i32
        %swap3A_349 = arith.index_cast %swap3A_348 : i32 to index
        %swap3A_350 = arith.index_cast %mul3A_347 : i32 to index
        %swap3A_351 = tpu.vector_load %arg8[%swap3A_349, %swap3A_350] {strides = array<i32>} : memref<32x512xf32, #tpu.memory_space<vmem>>, vector<16xf32>,
        tpu.vector_store %arg8[%swap3A_349, %swap3A_350], %gather3A_345 {strides = array<i32>} : memref<32x512xf32, #tpu.memory_space<vmem>>, vector<16xf32>,
        %add3A_352 = arith.constant 26 : i32
        %add3A_353 = vector.broadcast %add3A_352 : i32 to vector<16xi32>
        %add3A_354 = arith.addi %mul3A_93, %add3A_353 : vector<16xi32>
        %gather3A_355 = tpu.vector_load_idx %arg5[%add3A_354] : memref<8192xf32, #tpu.memory_space<vmem>>[vector<16xi32>], vector<16xf32>,
        %mul3A_356 = arith.constant 16 : i32
        %mul3A_357 = arith.muli %add3A_79, %mul3A_356 : i32
        %swap3A_358 = arith.constant 26 : i32
        %swap3A_359 = arith.index_cast %swap3A_358 : i32 to index
        %swap3A_360 = arith.index_cast %mul3A_357 : i32 to index
        %swap3A_361 = tpu.vector_load %arg8[%swap3A_359, %swap3A_360] {strides = array<i32>} : memref<32x512xf32, #tpu.memory_space<vmem>>, vector<16xf32>,
        tpu.vector_store %arg8[%swap3A_359, %swap3A_360], %gather3A_355 {strides = array<i32>} : memref<32x512xf32, #tpu.memory_space<vmem>>, vector<16xf32>,
        %add3A_362 = arith.constant 27 : i32
        %add3A_363 = vector.broadcast %add3A_362 : i32 to vector<16xi32>
        %add3A_364 = arith.addi %mul3A_93, %add3A_363 : vector<16xi32>
        %gather3A_365 = tpu.vector_load_idx %arg5[%add3A_364] : memref<8192xf32, #tpu.memory_space<vmem>>[vector<16xi32>], vector<16xf32>,
        %mul3A_366 = arith.constant 16 : i32
        %mul3A_367 = arith.muli %add3A_79, %mul3A_366 : i32
        %swap3A_368 = arith.constant 27 : i32
        %swap3A_369 = arith.index_cast %swap3A_368 : i32 to index
        %swap3A_370 = arith.index_cast %mul3A_367 : i32 to index
        %swap3A_371 = tpu.vector_load %arg8[%swap3A_369, %swap3A_370] {strides = array<i32>} : memref<32x512xf32, #tpu.memory_space<vmem>>, vector<16xf32>,
        tpu.vector_store %arg8[%swap3A_369, %swap3A_370], %gather3A_365 {strides = array<i32>} : memref<32x512xf32, #tpu.memory_space<vmem>>, vector<16xf32>,
        %add3A_372 = arith.constant 28 : i32
        %add3A_373 = vector.broadcast %add3A_372 : i32 to vector<16xi32>
        %add3A_374 = arith.addi %mul3A_93, %add3A_373 : vector<16xi32>
        %gather3A_375 = tpu.vector_load_idx %arg5[%add3A_374] : memref<8192xf32, #tpu.memory_space<vmem>>[vector<16xi32>], vector<16xf32>,
        %mul3A_376 = arith.constant 16 : i32
        %mul3A_377 = arith.muli %add3A_79, %mul3A_376 : i32
        %swap3A_378 = arith.constant 28 : i32
        %swap3A_379 = arith.index_cast %swap3A_378 : i32 to index
        %swap3A_380 = arith.index_cast %mul3A_377 : i32 to index
        %swap3A_381 = tpu.vector_load %arg8[%swap3A_379, %swap3A_380] {strides = array<i32>} : memref<32x512xf32, #tpu.memory_space<vmem>>, vector<16xf32>,
        tpu.vector_store %arg8[%swap3A_379, %swap3A_380], %gather3A_375 {strides = array<i32>} : memref<32x512xf32, #tpu.memory_space<vmem>>, vector<16xf32>,
        %add3A_382 = arith.constant 29 : i32
        %add3A_383 = vector.broadcast %add3A_382 : i32 to vector<16xi32>
        %add3A_384 = arith.addi %mul3A_93, %add3A_383 : vector<16xi32>
        %gather3A_385 = tpu.vector_load_idx %arg5[%add3A_384] : memref<8192xf32, #tpu.memory_space<vmem>>[vector<16xi32>], vector<16xf32>,
        %mul3A_386 = arith.constant 16 : i32
        %mul3A_387 = arith.muli %add3A_79, %mul3A_386 : i32
        %swap3A_388 = arith.constant 29 : i32
        %swap3A_389 = arith.index_cast %swap3A_388 : i32 to index
        %swap3A_390 = arith.index_cast %mul3A_387 : i32 to index
        %swap3A_391 = tpu.vector_load %arg8[%swap3A_389, %swap3A_390] {strides = array<i32>} : memref<32x512xf32, #tpu.memory_space<vmem>>, vector<16xf32>,
        tpu.vector_store %arg8[%swap3A_389, %swap3A_390], %gather3A_385 {strides = array<i32>} : memref<32x512xf32, #tpu.memory_space<vmem>>, vector<16xf32>,
        %add3A_392 = arith.constant 30 : i32
        %add3A_393 = vector.broadcast %add3A_392 : i32 to vector<16xi32>
        %add3A_394 = arith.addi %mul3A_93, %add3A_393 : vector<16xi32>
        %gather3A_395 = tpu.vector_load_idx %arg5[%add3A_394] : memref<8192xf32, #tpu.memory_space<vmem>>[vector<16xi32>], vector<16xf32>,
        %mul3A_396 = arith.constant 16 : i32
        %mul3A_397 = arith.muli %add3A_79, %mul3A_396 : i32
        %swap3A_398 = arith.constant 30 : i32
        %swap3A_399 = arith.index_cast %swap3A_398 : i32 to index
        %swap3A_400 = arith.index_cast %mul3A_397 : i32 to index
        %swap3A_401 = tpu.vector_load %arg8[%swap3A_399, %swap3A_400] {strides = array<i32>} : memref<32x512xf32, #tpu.memory_space<vmem>>, vector<16xf32>,
        tpu.vector_store %arg8[%swap3A_399, %swap3A_400], %gather3A_395 {strides = array<i32>} : memref<32x512xf32, #tpu.memory_space<vmem>>, vector<16xf32>,
        %add3A_402 = arith.constant 31 : i32
        %add3A_403 = vector.broadcast %add3A_402 : i32 to vector<16xi32>
        %add3A_404 = arith.addi %mul3A_93, %add3A_403 : vector<16xi32>
        %gather3A_405 = tpu.vector_load_idx %arg5[%add3A_404] : memref<8192xf32, #tpu.memory_space<vmem>>[vector<16xi32>], vector<16xf32>,
        %mul3A_406 = arith.constant 16 : i32
        %mul3A_407 = arith.muli %add3A_79, %mul3A_406 : i32
        %swap3A_408 = arith.constant 31 : i32
        %swap3A_409 = arith.index_cast %swap3A_408 : i32 to index
        %swap3A_410 = arith.index_cast %mul3A_407 : i32 to index
        %swap3A_411 = tpu.vector_load %arg8[%swap3A_409, %swap3A_410] {strides = array<i32>} : memref<32x512xf32, #tpu.memory_space<vmem>>, vector<16xf32>,
        tpu.vector_store %arg8[%swap3A_409, %swap3A_410], %gather3A_405 {strides = array<i32>} : memref<32x512xf32, #tpu.memory_space<vmem>>, vector<16xf32>,
      }
      %scan3A_65 = arith.constant 32 : i32
      %mul3A_66 = arith.constant 32 : i32
      %mul3A_67 = arith.muli %add3A, %mul3A_66 : i32
      %add3A_68 = arith.addi %mul3A_67, %shift_right_arithmetic3A_51 : i32
      %dma_start3A_69 = arith.constant 0 : i32
      %dma_start3A_70 = tpu.memref_slice %arg4[%add3A_68, %dma_start3A_69, %mul3A_55] : memref<1024x32x1024xf32, #tpu.memory_space<hbm>> -> memref<1x32x512xf32, #tpu.memory_space<hbm>>
      %dma_start3A_71 = tpu.memref_squeeze %dma_start3A_70 : memref<1x32x512xf32, #tpu.memory_space<hbm>> -> memref<32x512xf32, #tpu.memory_space<hbm>>
      %dma_start3A_72 = arith.constant 0 : i32
      %dma_start3A_73 = tpu.memref_slice %arg4[%add3A_68, %dma_start3A_72, %mul3A_55] : memref<1024x32x1024xf32, #tpu.memory_space<hbm>> -> memref<1x32x512xf32, #tpu.memory_space<hbm>>
      %dma_start3A_74 = tpu.memref_squeeze %dma_start3A_73 : memref<1x32x512xf32, #tpu.memory_space<hbm>> -> memref<32x512xf32, #tpu.memory_space<hbm>>
      tpu.enqueue_dma source(%arg8 : memref<32x512xf32, #tpu.memory_space<vmem>>) target(%dma_start3A_74 : memref<32x512xf32, #tpu.memory_space<hbm>>) target_semaphore(%arg10 : memref<!tpu.dma_semaphore, #tpu.memory_space<semaphore_mem>>)
    }
    %scan3A_4 = arith.constant 32 : i32
    %dma_wait3A = arith.constant 0 : i32
    %dma_wait3A_5 = arith.constant 0 : i32
    %dma_wait3A_6 = arith.constant 0 : i32
    %dma_wait3A_7 = tpu.memref_slice %arg4[%dma_wait3A, %dma_wait3A_5, %dma_wait3A_6] : memref<1024x32x1024xf32, #tpu.memory_space<hbm>> -> memref<1x32x512xf32, #tpu.memory_space<hbm>>
    %dma_wait3A_8 = tpu.memref_squeeze %dma_wait3A_7 : memref<1x32x512xf32, #tpu.memory_space<hbm>> -> memref<32x512xf32, #tpu.memory_space<hbm>>
    %dma_wait3A_9 = arith.constant 0 : i32
    %dma_wait3A_10 = arith.constant 0 : i32
    %dma_wait3A_11 = tpu.memref_slice %arg4[%dma_wait3A, %dma_wait3A_9, %dma_wait3A_10] : memref<1024x32x1024xf32, #tpu.memory_space<hbm>> -> memref<1x32x512xf32, #tpu.memory_space<hbm>>
    %dma_wait3A_12 = tpu.memref_squeeze %dma_wait3A_11 : memref<1x32x512xf32, #tpu.memory_space<hbm>> -> memref<32x512xf32, #tpu.memory_space<hbm>>
    tpu.wait_dma2 semaphore(%arg9 : memref<!tpu.dma_semaphore, #tpu.memory_space<semaphore_mem>>) src(%arg7 : memref<32x512xf32, #tpu.memory_space<vmem>>) dst(%dma_wait3A_12 : memref<32x512xf32, #tpu.memory_space<hbm>>)
    %dma_wait3A_13 = arith.constant 0 : i32
    %dma_wait3A_14 = arith.constant 0 : i32
    %dma_wait3A_15 = arith.constant 0 : i32
    %dma_wait3A_16 = tpu.memref_slice %arg4[%dma_wait3A_13, %dma_wait3A_14, %dma_wait3A_15] : memref<1024x32x1024xf32, #tpu.memory_space<hbm>> -> memref<1x32x512xf32, #tpu.memory_space<hbm>>
    %dma_wait3A_17 = tpu.memref_squeeze %dma_wait3A_16 : memref<1x32x512xf32, #tpu.memory_space<hbm>> -> memref<32x512xf32, #tpu.memory_space<hbm>>
    %dma_wait3A_18 = arith.constant 0 : i32
    %dma_wait3A_19 = arith.constant 0 : i32
    %dma_wait3A_20 = tpu.memref_slice %arg4[%dma_wait3A_13, %dma_wait3A_18, %dma_wait3A_19] : memref<1024x32x1024xf32, #tpu.memory_space<hbm>> -> memref<1x32x512xf32, #tpu.memory_space<hbm>>
    %dma_wait3A_21 = tpu.memref_squeeze %dma_wait3A_20 : memref<1x32x512xf32, #tpu.memory_space<hbm>> -> memref<32x512xf32, #tpu.memory_space<hbm>>
    tpu.wait_dma2 semaphore(%arg10 : memref<!tpu.dma_semaphore, #tpu.memory_space<semaphore_mem>>) src(%arg8 : memref<32x512xf32, #tpu.memory_space<vmem>>) dst(%dma_wait3A_21 : memref<32x512xf32, #tpu.memory_space<hbm>>)
    return
  }
}

</mosaic_0001>

<sc_bundles>
// kernel: kernel.3.cloned.1.call-start
scs
__scs_entry_jumppad:
0x0: {  	(pc) =	sbr.rel $0x88, $3  }
0x1: {  	(tag) =	ssettag $0x0;
	lr =	simm.s32 $0x1  }
0x2: {  	[smem:$0x3F9F] =	sst lr;
	_ =	strace $0xD0000000  }
0x3: {  	_ = 	snop  }
0x4: {  	_ = 	snop  }
0x5: {  	_ = 	snop  }
0x6: {  	_ = 	snop  }
0x7: {  	_ = 	snop  }
__scs_overlays_trampoline_lowered:
0x8: {  	[smem:$0x3FAE] =	sst s0  }
0x9: {  	[smem:$0x3FAF] =	sst s1  }
0xa: {  	[smem:$0x3FB0] =	sst s2  }
0xb: {  	[smem:$0x3FB1] =	sst s3  }
0xc: {  	[smem:$0x3FB2] =	sst s4  }
0xd: {  	[smem:$0x3FB3] =	sst s5  }
0xe: {  	[smem:$0x3FB4] =	sst s6  }
0xf: {  	[smem:$0x3FB5] =	sst s7  }
0x10: {  	[smem:$0x3FB6] =	sst s8  }
0x11: {  	[smem:$0x3FB7] =	sst s9;
	s0 =	simm.s32 @!p0 $0x0  }
0x12: {  	s1 =	sld [smem:$0x3F9D];
	s0 =	simm.s32 @p0 $0x1  }
0x13: {  	[smem:$0x3FB8] =	sst s0;
	s0 =	simm.s32 @!p1 $0x0  }
0x14: {  	s2 =	sld [smem:$0x3F9C];
	s0 =	simm.s32 @p1 $0x1  }
0x15: {  	[smem:$0x3FB9] =	sst s0;
	s0 =	simm.s32 @!p2 $0x0  }
0x16: {  	s3 =	sld [smem:$0x3FDB];
	s0 =	simm.s32 @p2 $0x1  }
0x17: {  	s4 =	simm.s32 $0x1BF5;
	[smem:$0x3FBB] =	sst s0  }
0x18: {  	s0 =	sld [smem:$0x3F9E];
	_ =	swait.ge [sflag:s4], $0x0  }
0x19: {  	s7 =	sld [smem:$0x3F9F]  }
0x1a: {  	s8 =	sadd.s32 $0xFFFFE003, lr  }
0x1b: {  	s9 =	sadd.s32 $0xFFFFFEF7, lr;
	s5 =	simm.s32 $0xFFFFFFFF;
	p2 =	slt.u32 s8, $0xFFFFF086  }
0x1c: {  	p1 =	slt.u32 s9, $0xF7A;
	s5 =	simm.s32 @!p2 $0x0  }
0x1d: {  	s5 =	simm.s32 @p1 $0x1;
	p0 =	seq.s32 s7, s2  }
0x1e: {  	s7 =	smul.u32 @!p0 $0xF7A, s2;
	p2 =	seq.s32 @!p0 s5, $0x0  }
0x1f: {  	s9 =	smul.u32 $0xF7A, s1;
	s8 =	simm.s32 @!p0 $0x1BF5;
	p2 =	por !p2, p0  }
0x20: {  	[sflag:s8] =	ssyncset.s32 @!p0 $0xFFFFF086;
	s6 =	sadd.s32 @!p0 s3, s7;
	s7 =	simm.s32 @!p0 $0x108  }
0x21: {  	s3 =	sadd.s32 s3, s9;
	s6 =	sadd.s32 @!p0 $0x88, s6;
	s7 =	simm.s32 @p2 $0x1082  }
0x22: {  	[simem:s7], [sflag:s8] =	dma.local @!p0 [hbm:s6], $0xF7A  }
0x23: {  	s9 =	sor.u32 $0xD0000000, s2;
	s6 =	simm.s32 $0x108;
	_ =	swait.ge @!p0 [sflag:s8], $0x0  }
0x24: {  	s3 =	sadd.s32 $0x88, s3;
	s6 =	simm.s32 @!p1 $0x1082;
	[sflag:s4] =	ssyncset.s32 $0xFFFFF086  }
0x25: {  	[simem:s6], [sflag:s4] =	dma.local [hbm:s3], $0xF7A  }
0x26: {  	[smem:$0x3F9F] =	sst s1;
	(tag) =	ssettag s2;
	_ =	strace s9  }
0x27: {  	s1 =	sld [smem:$0x3FAF]  }
0x28: {  	s2 =	sld [smem:$0x3FB0]  }
0x29: {  	s4 =	sld [smem:$0x3FB2]  }
0x2a: {  	p0 =	seq.s32 s5, $0x0;
	s5 =	sld [smem:$0x3FB3]  }
0x2b: {  	s6 =	sld [smem:$0x3FB4]  }
0x2c: {  	s7 =	sld [smem:$0x3FB5]  }
0x2d: {  	s3 =	simm.s32 $0x108;
	s8 =	sld [smem:$0x3FB6]  }
0x2e: {  	s3 =	simm.s32 @!p0 $0x1082;
	s9 =	sld [smem:$0x3FB7]  }
0x2f: {  	lr =	sadd.s32 s0, s3;
	s0 =	sld [smem:$0x3FAE]  }
0x30: {  	s3 =	sld [smem:$0x3FB1]  }
0x31: {  	[smem:$0x3FBA] =	sst s10  }
0x32: {  	s10 =	sld [smem:$0x3FB8];
	_ =	sdelay $0x3  }
0x33: {  	p0 =	seq.s32 s10, $0x1;
	s10 =	sld [smem:$0x3FBA];
	_ =	sdelay $0x3  }
0x34: {  	[smem:$0x3FBA] =	sst s10  }
0x35: {  	s10 =	sld [smem:$0x3FB9];
	_ =	sdelay $0x3  }
0x36: {  	p1 =	seq.s32 s10, $0x1;
	s10 =	sld [smem:$0x3FBA];
	_ =	sdelay $0x3  }
0x37: {  	[smem:$0x3FBA] =	sst s10  }
0x38: {  	s10 =	sld [smem:$0x3FBB]  }
0x39: {  	_ = 	snop;
	(pc) =	sbr.ind lr, $3  }
0x3a: {  	_ = 	snop  }
0x3b: {  	_ = 	snop  }
0x3c: {  	p2 =	seq.s32 s10, $0x1;
	s10 =	sld [smem:$0x3FBA]  }
0x3d: {  	_ =	shalt  }
0x3e: {  	_ =	shalt  }
0x3f: {  	_ =	shalt  }
0x40: {  	_ =	shalt  }
0x41: {  	_ =	shalt  }
0x42: {  	_ =	shalt  }
0x43: {  	_ =	shalt  }
0x44: {  	_ =	shalt  }
0x45: {  	_ =	shalt  }
0x46: {  	_ =	shalt  }
0x47: {  	_ =	shalt  }
0x48: {  	_ =	shalt  }
0x49: {  	_ =	shalt  }
0x4a: {  	_ =	shalt  }
0x4b: {  	_ =	shalt  }
0x4c: {  	_ =	shalt  }
0x4d: {  	_ =	shalt  }
0x4e: {  	_ =	shalt  }
0x4f: {  	_ =	shalt  }
0x50: {  	_ =	shalt  }
0x51: {  	_ =	shalt  }
0x52: {  	_ =	shalt  }
0x53: {  	_ =	shalt  }
0x54: {  	_ =	shalt  }
0x55: {  	_ =	shalt  }
0x56: {  	_ =	shalt  }
0x57: {  	_ =	shalt  }
0x58: {  	_ =	shalt  }
0x59: {  	_ =	shalt  }
0x5a: {  	_ =	shalt  }
0x5b: {  	_ =	shalt  }
0x5c: {  	_ =	shalt  }
0x5d: {  	_ =	shalt  }
0x5e: {  	_ =	shalt  }
0x5f: {  	_ =	shalt  }
0x60: {  	_ =	shalt  }
0x61: {  	_ =	shalt  }
0x62: {  	_ =	shalt  }
0x63: {  	_ =	shalt  }
0x64: {  	_ =	shalt  }
0x65: {  	_ =	shalt  }
0x66: {  	_ =	shalt  }
0x67: {  	_ =	shalt  }
0x68: {  	_ =	shalt  }
0x69: {  	_ =	shalt  }
0x6a: {  	_ =	shalt  }
0x6b: {  	_ =	shalt  }
0x6c: {  	_ =	shalt  }
0x6d: {  	_ =	shalt  }
0x6e: {  	_ =	shalt  }
0x6f: {  	_ =	shalt  }
0x70: {  	_ =	shalt  }
0x71: {  	_ =	shalt  }
0x72: {  	_ =	shalt  }
0x73: {  	_ =	shalt  }
0x74: {  	_ =	shalt  }
0x75: {  	_ =	shalt  }
0x76: {  	_ =	shalt  }
0x77: {  	_ =	shalt  }
0x78: {  	_ =	shalt  }
0x79: {  	_ =	shalt  }
0x7a: {  	_ =	shalt  }
0x7b: {  	_ =	shalt  }
0x7c: {  	_ =	shalt  }
0x7d: {  	_ =	shalt  }
0x7e: {  	_ =	shalt  }
0x7f: {  	_ =	shalt  }
0x80: {  	_ =	shalt  }
0x81: {  	_ =	shalt  }
0x82: {  	_ =	shalt  }
0x83: {  	_ =	shalt  }
0x84: {  	_ =	shalt  }
0x85: {  	_ =	shalt  }
0x86: {  	_ =	shalt  }
0x87: {  	_ =	shalt  }
.Lfunc_end0:
.L_simem_size_0:
called_computation_lowered:
.L_overlay_start_0:
0x88: {  	s2 =	sld [smem:$0x3FD9]  }
0x89: {  	s3 =	sld [smem:$0x3FFE];
	_ =	sdelay $0x1  }
0x8a: {  	s1 =	srdreg.scid  }
0x8b: {  	s0 =	sand.u32 $0x1, s1  }
0x8c: {  	s17 =	sshll.u32 s0, $0xA;
	s2 =	sadd.s32 s3, s2  }
0x8d: {  	s2 =	sadd.s32 s2, s17  }
0x8e: {  	[smem:$0x3FC6] =	sst s2  }
0x8f: {  	_ = 	snop  }
0x90: {  	s2 =	sld [smem:$0x3FD0];
	(tm) =	ssettm $0x1  }
0x91: {  	s18 =	sld [smem:$0x3FFB];
	_ =	sdelay $0x3  }
0x92: {  	_ =	strace s18  }
0x93: {  	s3 =	sld [smem:$0x3FFC];
	_ =	sdelay $0x3  }
0x94: {  	_ =	strace s3  }
0x95: {  	s3 =	sld [smem:$0x3FFD];
	_ =	sdelay $0x3  }
0x96: {  	_ =	strace s3  }
0x97: {  	_ =	strace $0x8FFFFFFF  }
0x98: {  	s19 =	sld [smem:$0x3FDB];
	_ =	sdelay $0x1  }
0x99: {  	s4 =	simm.s32 $_scs_section_size  }
0x9a: {  	s5 =	simm.s32 $_size__tile_overlayer_lowered;
	s6 =	simm.s32 $_tile_overlayer_lowered  }
0x9b: {  	s22 =	simm.s32 $0x1BFF;
	s21 =	sshll.u32 s6, $0x1;
	s3 =	sadd.s32 s4, s19  }
0x9c: {  	s7 =	simm.s32 $0x0;
	s20 =	sshll.u32 s5, $0x1;
	s5 =	sadd.s32 s21, s3  }
0x9d: {  	[timem:s7], [sflag:s22] =	dma.local [hbm:s5], s20  }
0x9e: {  	_ =	swait.ge [sflag:s22], s20  }
0x9f: {  	s4 =	ssub.s32 $0x0, s20;
	[sflag:s22] =	ssyncset.done $0x0  }
0xa0: {  	[sflag:s22] =	ssyncadd.s32 s4;
	_ =	sdelay $0x1  }
0xa1: {  	s23 =	simm.s32 $0x1B8B  }
0xa2: {  	_ =	swait.ge [sflag:s23], $0x1  }
0xa3: {  	[sflag:s23] =	ssyncset.done $0x0  }
0xa4: {  	s25 =	simm.s32 $0x1B8E;
	s24 =	sld [smem:$0x3FFE];
	[sflag:s23] =	ssyncadd.s32 $0xFFFFFFFF  }
0xa5: {  	s26 =	simm.s32 $execute0_lowered;
	[smem:$0x3FD2] =	sst s25  }
0xa6: {  	s5 =	sshll.u32 s26, $0x1;
	_ =	strace $0x80000046;
	[dreg:$0x1] =	wrdreg $0xFFFFFFFF  }
0xa7: {  	s28 =	simm.s32 $_size_execute0_lowered;
	s3 =	sadd.s32 s3, s5;
	[dreg:$0x0] =	wrdreg $0x0  }
0xa8: {  	s5 =	sshll.u32 s28, $0x1;
	[dreg:$0x2] =	wrdreg s3  }
0xa9: {  	[dreg:$0x3] =	wrdreg s5  }
0xaa: {  	[dreg:$0x4] =	wrdreg $0xC0  }
0xab: {  	_ =	task [dreg:s7], $0x5FFFF  }
0xac: {  	[dreg:$0x1] =	wrdreg $0xFFFFFFFF  }
0xad: {  	[dreg:$0x0] =	wrdreg $0x60  }
0xae: {  	[dreg:$0x2] =	wrdreg s24  }
0xaf: {  	[dreg:$0x3] =	wrdreg s2  }
0xb0: {  	[dreg:$0x4] =	wrdreg $0x9  }
0xb1: {  	_ =	task.clear_ibuf [dreg:s7], $0x5FFFF;
	_ =	strace $0x90000046  }
0xb2: {  	s29 =	simm.s32 $0x9;
	_ =	strace $0x80000048  }
0xb3: {  	_ =	swait.ge [sflag:s29], $0x1  }
0xb4: {  	[sflag:s29] =	ssyncadd.s32 $0xFFFFFFFF  }
0xb5: {  	_ =	strace $0x90000048  }
0xb6: {  	_ =	sfence  }
0xb7: {  	s30 =	sld [smem:$0x0];
	_ =	sdelay $0x2  }
0xb8: {  	s31 =	sshll.u32 s1, $0xD;
	s1 =	sshrl.u32 s1, $0x2  }
0xb9: {  	s3 =	sand.u32 $0x4000, s31;
	s1 =	sadd.s32 s1, s30  }
0xba: {  	s0 =	sor.u32 s3, s0;
	s1 =	sshll.u32 s1, $0x11  }
0xbb: {  	s0 =	sor.u32 s1, s0  }
0xbc: {  	s0 =	sadd.s32 $0x8F2B, s0  }
0xbd: {  	[sflag:s0] =	ssyncadd.remote.s32 $0x1  }
0xbe: {  	_ =	sfence.sel $0xFFFF  }
0xbf: {  	[dreg:$0x0] =	wrdreg $0xFFFFFFFF;
	(pc) =	sbr.abs _section_cstart, $3  }
0xc0: {  	[dreg:$0x1] =	wrdreg $0xFFFFFFFF  }
0xc1: {  	_ =	task.clear_ibuf [dreg:s7], $0x2FFFF;
	_ =	strace $0x9FFFFFFF  }
0xc2: {  	(tm) =	ssettm $0x7FFFFFFF  }
0xc3: {  	_ =	shalt  }
tec
execute0_lowered:
.L_overlay_start_1:
0x0: {  	(tag) =	ssettag $0x1  }
0x1: {  	s4 =	rddreg [dreg:$0x0]  }
0x2: {  	s2 =	rddreg [dreg:$0x1]  }
0x3: {  	s0 =	rddreg [dreg:$0x2]  }
0x4: {  	s5 =	srdreg.scid;
	s1 =	stileid.u32  }
0x5: {  	s3 =	simm.s32 $0x0;
	s9 =	simm.s32 $0x3;
	s10 =	simm.s32 $0x2000  }
0x6: {  	s11 =	simm.s32 $0x1000;
	s12 =	simm.s32 $0xA000;
	s13 =	simm.s32 $0xE000  }
0x7: {  	s14 =	simm.s32 $0x1;
	s15 =	simm.s32 $0x2;
	s16 =	simm.s32 $0x0  }
0x8: {  	s5 =	sand.u32 $0x1, s5;
	s6 =	sshll.u32 s1, $0x1;
	[smem:$0x7FF] =	sst s3  }
0x9: {  	s6 =	sor.u32 s5, s6;
	s5 =	ssub.s32 $0x2, s5;
	_ =	strace $0x80000047  }
0xa: {  	s7 =	sshll.u32 s6, $0xC;
	s8 =	sshrl.u32 s5, $0x1;
	s6 =	sshll.u32 s6, $0x11  }
0xb: {  	s7 =	sadd.s32 s7, s4;
	s4 =	sadd.s32 $0x400, s4;
	s8 =	ssub.s32 s5, s8  }
0xc: {  	s5 =	sadd.s32 $0x800, s7;
	s7 =	sadd.s32 $0x200, s2;
	s8 =	smax.u32 s8, $0x1  }
.LBB2_1:
0xd: {  	[tilespmem:s3], [sflag:$0x3] =	stream.linear.gather [hbm4b:s4+s3], $0x2000, $0x38;
	[tilespmem:$0x12000] =	vst v63  }
0xe: {  	_ =	swait.ge [sflag:s9], $0x2000  }
0xf: {  	[sflag:s9] =	ssyncset.done $0x0  }
0x10: {  	[sflag:s9] =	ssyncadd.s32 $0xFFFFE000  }
0x11: {  	[tilespmem:s10], [sflag:$0x3] =	stream.linear.gather [hbm4b:s5+s3], $0x8000, $0x38;
	[tilespmem:$0x12000] =	vst v63  }
0x12: {  	_ =	swait.ge [sflag:s9], $0x8000  }
0x13: {  	[sflag:s9] =	ssyncset.done $0x0  }
0x14: {  	s17 =	simm.s32 $0x0;
	[sflag:s9] =	ssyncadd.s32 $0xFFFF8000  }
.LBB2_2:
0x15: {  	p0 =	seq.s32 s17, $0x0;
	s19 =	sshll.u32 s17, $0xC  }
0x16: {  	s20 =	simm.s32 $0x0;
	s21 =	simm.s32 @!p0 $0x1;
	s18 =	sshrl.u32 s19, $0x2  }
0x17: {  	s22 =	sand.u32 $0x180, s20;
	_ =	swait.ge @!p0 [sflag:s21], $0x4000;
	s18 =	sadd.s32 $0x2000, s18  }
0x18: {  	s23 =	sand.u32 $0x70, s20;
	[sflag:s21] =	ssyncset.done @!p0 $0x0;
	s22 =	sadd.s32 s22, s18  }
0x19: {  	[sflag:s21] =	ssyncadd.s32 @!p0 $0xFFFFC000;
	s28 =	sadd.s32 s23, s22  }
0x1a: {  	v0 =	vld [tilespmem:s28+$0x0];
	_ =	sdelay $0x4  }
0x1b: {  	v0 =	vshll.u32 v0, $0x5;
	_ =	sdelay $0x4  }
0x1c: {  	v1 =	vld.idx.msk [tilespmem:v0+s3+$0x0], $0xffff  }
0x1d: {  	v2 =	vor.u32 $0x1, v0;
	_ =	sdelay $0x1  }
0x1e: {  	s29 =	sand.u32 $0xC00, s20  }
0x1f: {  	s21 =	sor.u32 s23, s29  }
0x20: {  	[tilespmem:s21+$0xA000] =	vst v1  }
0x21: {  	v1 =	vld.idx.msk [tilespmem:v2+s3+$0x0], $0xffff  }
0x22: {  	v2 =	vor.u32 $0x2, v0;
	_ =	sdelay $0x3  }
0x23: {  	[tilespmem:s21+$0xA080] =	vst v1  }
0x24: {  	v1 =	vld.idx.msk [tilespmem:v2+s3+$0x0], $0xffff  }
0x25: {  	v2 =	vor.u32 $0x3, v0;
	_ =	sdelay $0x3  }
0x26: {  	[tilespmem:s21+$0xA100] =	vst v1  }
0x27: {  	v1 =	vld.idx.msk [tilespmem:v2+s3+$0x0], $0xffff  }
0x28: {  	v2 =	vor.u32 $0x4, v0;
	_ =	sdelay $0x3  }
0x29: {  	[tilespmem:s21+$0xA180] =	vst v1  }
0x2a: {  	v1 =	vld.idx.msk [tilespmem:v2+s3+$0x0], $0xffff  }
0x2b: {  	v2 =	vor.u32 $0x5, v0;
	_ =	sdelay $0x3  }
0x2c: {  	[tilespmem:s21+$0xA200] =	vst v1  }
0x2d: {  	v1 =	vld.idx.msk [tilespmem:v2+s3+$0x0], $0xffff  }
0x2e: {  	v2 =	vor.u32 $0x6, v0;
	_ =	sdelay $0x3  }
0x2f: {  	[tilespmem:s21+$0xA280] =	vst v1  }
0x30: {  	v1 =	vld.idx.msk [tilespmem:v2+s3+$0x0], $0xffff  }
0x31: {  	v2 =	vor.u32 $0x7, v0;
	_ =	sdelay $0x3  }
0x32: {  	[tilespmem:s21+$0xA300] =	vst v1  }
0x33: {  	v1 =	vld.idx.msk [tilespmem:v2+s3+$0x0], $0xffff  }
0x34: {  	v2 =	vor.u32 $0x8, v0;
	_ =	sdelay $0x1  }
0x35: {  	s30 =	sor.u32 s20, s20  }
0x36: {  	s22 =	sor.u32 $0x380, s30  }
0x37: {  	[tilespmem:s22+$0xA000] =	vst v1  }
0x38: {  	v1 =	vld.idx.msk [tilespmem:v2+s3+$0x0], $0xffff  }
0x39: {  	v2 =	vor.u32 $0x9, v0;
	_ =	sdelay $0x3  }
0x3a: {  	[tilespmem:s21+$0xB000] =	vst v1  }
0x3b: {  	v1 =	vld.idx.msk [tilespmem:v2+s3+$0x0], $0xffff  }
0x3c: {  	v2 =	vor.u32 $0xA, v0;
	_ =	sdelay $0x3  }
0x3d: {  	[tilespmem:s21+$0xB080] =	vst v1  }
0x3e: {  	v1 =	vld.idx.msk [tilespmem:v2+s3+$0x0], $0xffff  }
0x3f: {  	v2 =	vor.u32 $0xB, v0;
	_ =	sdelay $0x3  }
0x40: {  	[tilespmem:s21+$0xB100] =	vst v1  }
0x41: {  	v1 =	vld.idx.msk [tilespmem:v2+s3+$0x0], $0xffff  }
0x42: {  	v2 =	vor.u32 $0xC, v0;
	_ =	sdelay $0x3  }
0x43: {  	[tilespmem:s21+$0xB180] =	vst v1  }
0x44: {  	v1 =	vld.idx.msk [tilespmem:v2+s3+$0x0], $0xffff  }
0x45: {  	v2 =	vor.u32 $0xD, v0;
	_ =	sdelay $0x3  }
0x46: {  	[tilespmem:s21+$0xB200] =	vst v1  }
0x47: {  	v1 =	vld.idx.msk [tilespmem:v2+s3+$0x0], $0xffff  }
0x48: {  	v2 =	vor.u32 $0xE, v0;
	_ =	sdelay $0x3  }
0x49: {  	[tilespmem:s21+$0xB280] =	vst v1  }
0x4a: {  	v1 =	vld.idx.msk [tilespmem:v2+s3+$0x0], $0xffff  }
0x4b: {  	v2 =	vor.u32 $0xF, v0;
	_ =	sdelay $0x3  }
0x4c: {  	[tilespmem:s21+$0xB300] =	vst v1  }
0x4d: {  	v1 =	vld.idx.msk [tilespmem:v2+s3+$0x0], $0xffff  }
0x4e: {  	v2 =	vor.u32 $0x10, v0;
	_ =	sdelay $0x3  }
0x4f: {  	[tilespmem:s21+$0xB380] =	vst v1  }
0x50: {  	v1 =	vld.idx.msk [tilespmem:v2+s3+$0x0], $0xffff  }
0x51: {  	v2 =	vor.u32 $0x11, v0;
	_ =	sdelay $0x3  }
0x52: {  	[tilespmem:s21+$0xC000] =	vst v1  }
0x53: {  	v1 =	vld.idx.msk [tilespmem:v2+s3+$0x0], $0xffff  }
0x54: {  	v2 =	vor.u32 $0x12, v0;
	_ =	sdelay $0x3  }
0x55: {  	[tilespmem:s21+$0xC080] =	vst v1  }
0x56: {  	v1 =	vld.idx.msk [tilespmem:v2+s3+$0x0], $0xffff  }
0x57: {  	v2 =	vor.u32 $0x13, v0;
	_ =	sdelay $0x3  }
0x58: {  	[tilespmem:s21+$0xC100] =	vst v1  }
0x59: {  	v1 =	vld.idx.msk [tilespmem:v2+s3+$0x0], $0xffff  }
0x5a: {  	v2 =	vor.u32 $0x14, v0;
	_ =	sdelay $0x3  }
0x5b: {  	[tilespmem:s21+$0xC180] =	vst v1  }
0x5c: {  	v1 =	vld.idx.msk [tilespmem:v2+s3+$0x0], $0xffff  }
0x5d: {  	v2 =	vor.u32 $0x15, v0;
	_ =	sdelay $0x3  }
0x5e: {  	[tilespmem:s21+$0xC200] =	vst v1  }
0x5f: {  	v1 =	vld.idx.msk [tilespmem:v2+s3+$0x0], $0xffff  }
0x60: {  	v2 =	vor.u32 $0x16, v0;
	_ =	sdelay $0x3  }
0x61: {  	[tilespmem:s21+$0xC280] =	vst v1  }
0x62: {  	v1 =	vld.idx.msk [tilespmem:v2+s3+$0x0], $0xffff  }
0x63: {  	v2 =	vor.u32 $0x17, v0;
	_ =	sdelay $0x3  }
0x64: {  	[tilespmem:s21+$0xC300] =	vst v1  }
0x65: {  	v1 =	vld.idx.msk [tilespmem:v2+s3+$0x0], $0xffff  }
0x66: {  	v2 =	vor.u32 $0x18, v0;
	_ =	sdelay $0x3  }
0x67: {  	[tilespmem:s21+$0xC380] =	vst v1  }
0x68: {  	v1 =	vld.idx.msk [tilespmem:v2+s3+$0x0], $0xffff  }
0x69: {  	v2 =	vor.u32 $0x19, v0;
	_ =	sdelay $0x3  }
0x6a: {  	[tilespmem:s21+$0xD000] =	vst v1  }
0x6b: {  	v1 =	vld.idx.msk [tilespmem:v2+s3+$0x0], $0xffff  }
0x6c: {  	v2 =	vor.u32 $0x1A, v0;
	_ =	sdelay $0x3  }
0x6d: {  	[tilespmem:s21+$0xD080] =	vst v1  }
0x6e: {  	v1 =	vld.idx.msk [tilespmem:v2+s3+$0x0], $0xffff  }
0x6f: {  	v2 =	vor.u32 $0x1B, v0;
	_ =	sdelay $0x3  }
0x70: {  	[tilespmem:s21+$0xD100] =	vst v1  }
0x71: {  	v1 =	vld.idx.msk [tilespmem:v2+s3+$0x0], $0xffff  }
0x72: {  	v2 =	vor.u32 $0x1C, v0;
	_ =	sdelay $0x3  }
0x73: {  	[tilespmem:s21+$0xD180] =	vst v1  }
0x74: {  	v1 =	vld.idx.msk [tilespmem:v2+s3+$0x0], $0xffff  }
0x75: {  	v2 =	vor.u32 $0x1D, v0;
	_ =	sdelay $0x3  }
0x76: {  	[tilespmem:s21+$0xD200] =	vst v1  }
0x77: {  	v1 =	vld.idx.msk [tilespmem:v2+s3+$0x0], $0xffff  }
0x78: {  	v2 =	vor.u32 $0x1E, v0;
	_ =	sdelay $0x3  }
0x79: {  	[tilespmem:s21+$0xD280] =	vst v1  }
0x7a: {  	v1 =	vld.idx.msk [tilespmem:v2+s3+$0x0], $0xffff  }
0x7b: {  	v0 =	vor.u32 $0x1F, v0;
	_ =	sdelay $0x3  }
0x7c: {  	[tilespmem:s21+$0xD300] =	vst v1  }
0x7d: {  	v0 =	vld.idx.msk [tilespmem:v0+s3+$0x0], $0xffff  }
0x7e: {  	s22 =	simm.s32 $0x10  }
0x7f: {  	s31 =	sand.u32 $0x180, s22  }
0x80: {  	s26 =	simm.s32 $0x20;
	s25 =	sand.u32 $0x70, s22;
	s24 =	sadd.s32 s31, s18  }
.LBB2_3:
0x81: {  	s28 =	sadd.s32 s25, s24  }
0x82: {  	[tilespmem:s21+$0xD380] =	vst v0;
	s20 =	sadd.s32 $0x80, s20;
	s24 =	smov.u32 s26;
	s23 =	sadd.s32 $0x10, s26  }
0x83: {  	p1 =	sne.s32 s26, $0x1F0;
	v0 =	vld [tilespmem:s28+$0x0];
	_ =	sdelay $0x4  }
0x84: {  	v0 =	vshll.u32 v0, $0x5;
	_ =	sdelay $0x4  }
0x85: {  	v1 =	vld.idx.msk [tilespmem:v0+s3+$0x0], $0xffff;
	_ =	sdelay $0x1  }
0x86: {  	v2 =	vor.u32 $0x1, v0;
	_ =	sdelay $0x1  }
0x87: {  	s21 =	sand.u32 $0xC00, s20  }
0x88: {  	s21 =	sor.u32 s25, s21  }
0x89: {  	[tilespmem:s21+$0xA000] =	vst v1  }
0x8a: {  	v1 =	vld.idx.msk [tilespmem:v2+s3+$0x0], $0xffff;
	_ =	sdelay $0x1  }
0x8b: {  	v2 =	vor.u32 $0x2, v0;
	_ =	sdelay $0x3  }
0x8c: {  	[tilespmem:s21+$0xA080] =	vst v1  }
0x8d: {  	v1 =	vld.idx.msk [tilespmem:v2+s3+$0x0], $0xffff;
	_ =	sdelay $0x1  }
0x8e: {  	v2 =	vor.u32 $0x3, v0;
	_ =	sdelay $0x3  }
0x8f: {  	[tilespmem:s21+$0xA100] =	vst v1  }
0x90: {  	v1 =	vld.idx.msk [tilespmem:v2+s3+$0x0], $0xffff;
	_ =	sdelay $0x1  }
0x91: {  	v2 =	vor.u32 $0x4, v0;
	_ =	sdelay $0x3  }
0x92: {  	[tilespmem:s21+$0xA180] =	vst v1  }
0x93: {  	v1 =	vld.idx.msk [tilespmem:v2+s3+$0x0], $0xffff;
	_ =	sdelay $0x1  }
0x94: {  	v2 =	vor.u32 $0x5, v0;
	_ =	sdelay $0x3  }
0x95: {  	[tilespmem:s21+$0xA200] =	vst v1  }
0x96: {  	v1 =	vld.idx.msk [tilespmem:v2+s3+$0x0], $0xffff;
	_ =	sdelay $0x1  }
0x97: {  	v2 =	vor.u32 $0x6, v0;
	_ =	sdelay $0x3  }
0x98: {  	[tilespmem:s21+$0xA280] =	vst v1  }
0x99: {  	v1 =	vld.idx.msk [tilespmem:v2+s3+$0x0], $0xffff;
	_ =	sdelay $0x1  }
0x9a: {  	v2 =	vor.u32 $0x7, v0;
	_ =	sdelay $0x3  }
0x9b: {  	[tilespmem:s21+$0xA300] =	vst v1  }
0x9c: {  	v1 =	vld.idx.msk [tilespmem:v2+s3+$0x0], $0xffff;
	_ =	sdelay $0x1  }
0x9d: {  	v2 =	vor.u32 $0x8, v0;
	_ =	sdelay $0x1  }
0x9e: {  	s25 =	sor.u32 s20, s22;
	s22 =	smov.u32 s24  }
0x9f: {  	s24 =	sor.u32 $0x380, s25  }
0xa0: {  	[tilespmem:s24+$0xA000] =	vst v1  }
0xa1: {  	v1 =	vld.idx.msk [tilespmem:v2+s3+$0x0], $0xffff;
	_ =	sdelay $0x1  }
0xa2: {  	v2 =	vor.u32 $0x9, v0;
	_ =	sdelay $0x3  }
0xa3: {  	[tilespmem:s21+$0xB000] =	vst v1  }
0xa4: {  	v1 =	vld.idx.msk [tilespmem:v2+s3+$0x0], $0xffff;
	_ =	sdelay $0x1  }
0xa5: {  	v2 =	vor.u32 $0xA, v0;
	_ =	sdelay $0x3  }
0xa6: {  	[tilespmem:s21+$0xB080] =	vst v1  }
0xa7: {  	v1 =	vld.idx.msk [tilespmem:v2+s3+$0x0], $0xffff;
	_ =	sdelay $0x1  }
0xa8: {  	v2 =	vor.u32 $0xB, v0;
	_ =	sdelay $0x3  }
0xa9: {  	[tilespmem:s21+$0xB100] =	vst v1  }
0xaa: {  	v1 =	vld.idx.msk [tilespmem:v2+s3+$0x0], $0xffff;
	_ =	sdelay $0x1  }
0xab: {  	v2 =	vor.u32 $0xC, v0;
	_ =	sdelay $0x3  }
0xac: {  	[tilespmem:s21+$0xB180] =	vst v1  }
0xad: {  	v1 =	vld.idx.msk [tilespmem:v2+s3+$0x0], $0xffff;
	_ =	sdelay $0x1  }
0xae: {  	v2 =	vor.u32 $0xD, v0;
	_ =	sdelay $0x3  }
0xaf: {  	[tilespmem:s21+$0xB200] =	vst v1  }
0xb0: {  	v1 =	vld.idx.msk [tilespmem:v2+s3+$0x0], $0xffff;
	_ =	sdelay $0x1  }
0xb1: {  	v2 =	vor.u32 $0xE, v0;
	_ =	sdelay $0x3  }
0xb2: {  	[tilespmem:s21+$0xB280] =	vst v1  }
0xb3: {  	v1 =	vld.idx.msk [tilespmem:v2+s3+$0x0], $0xffff;
	_ =	sdelay $0x1  }
0xb4: {  	v2 =	vor.u32 $0xF, v0;
	_ =	sdelay $0x3  }
0xb5: {  	[tilespmem:s21+$0xB300] =	vst v1  }
0xb6: {  	v1 =	vld.idx.msk [tilespmem:v2+s3+$0x0], $0xffff;
	_ =	sdelay $0x1  }
0xb7: {  	v2 =	vor.u32 $0x10, v0;
	_ =	sdelay $0x3  }
0xb8: {  	[tilespmem:s21+$0xB380] =	vst v1  }
0xb9: {  	v1 =	vld.idx.msk [tilespmem:v2+s3+$0x0], $0xffff;
	_ =	sdelay $0x1  }
0xba: {  	v2 =	vor.u32 $0x11, v0;
	_ =	sdelay $0x3  }
0xbb: {  	[tilespmem:s21+$0xC000] =	vst v1  }
0xbc: {  	v1 =	vld.idx.msk [tilespmem:v2+s3+$0x0], $0xffff;
	_ =	sdelay $0x1  }
0xbd: {  	v2 =	vor.u32 $0x12, v0;
	_ =	sdelay $0x3  }
0xbe: {  	[tilespmem:s21+$0xC080] =	vst v1  }
0xbf: {  	v1 =	vld.idx.msk [tilespmem:v2+s3+$0x0], $0xffff;
	_ =	sdelay $0x1  }
0xc0: {  	v2 =	vor.u32 $0x13, v0;
	_ =	sdelay $0x3  }
0xc1: {  	[tilespmem:s21+$0xC100] =	vst v1  }
0xc2: {  	v1 =	vld.idx.msk [tilespmem:v2+s3+$0x0], $0xffff;
	_ =	sdelay $0x1  }
0xc3: {  	v2 =	vor.u32 $0x14, v0;
	_ =	sdelay $0x3  }
0xc4: {  	[tilespmem:s21+$0xC180] =	vst v1  }
0xc5: {  	v1 =	vld.idx.msk [tilespmem:v2+s3+$0x0], $0xffff;
	_ =	sdelay $0x1  }
0xc6: {  	v2 =	vor.u32 $0x15, v0;
	_ =	sdelay $0x3  }
0xc7: {  	[tilespmem:s21+$0xC200] =	vst v1  }
0xc8: {  	v1 =	vld.idx.msk [tilespmem:v2+s3+$0x0], $0xffff;
	_ =	sdelay $0x1  }
0xc9: {  	v2 =	vor.u32 $0x16, v0;
	_ =	sdelay $0x3  }
0xca: {  	[tilespmem:s21+$0xC280] =	vst v1  }
0xcb: {  	v1 =	vld.idx.msk [tilespmem:v2+s3+$0x0], $0xffff;
	_ =	sdelay $0x1  }
0xcc: {  	v2 =	vor.u32 $0x17, v0;
	_ =	sdelay $0x3  }
0xcd: {  	[tilespmem:s21+$0xC300] =	vst v1  }
0xce: {  	v1 =	vld.idx.msk [tilespmem:v2+s3+$0x0], $0xffff;
	_ =	sdelay $0x1  }
0xcf: {  	v2 =	vor.u32 $0x18, v0;
	_ =	sdelay $0x3  }
0xd0: {  	[tilespmem:s21+$0xC380] =	vst v1  }
0xd1: {  	v1 =	vld.idx.msk [tilespmem:v2+s3+$0x0], $0xffff;
	_ =	sdelay $0x1  }
0xd2: {  	v2 =	vor.u32 $0x19, v0;
	_ =	sdelay $0x3  }
0xd3: {  	[tilespmem:s21+$0xD000] =	vst v1  }
0xd4: {  	v1 =	vld.idx.msk [tilespmem:v2+s3+$0x0], $0xffff;
	_ =	sdelay $0x1  }
0xd5: {  	v2 =	vor.u32 $0x1A, v0;
	_ =	sdelay $0x3  }
0xd6: {  	[tilespmem:s21+$0xD080] =	vst v1  }
0xd7: {  	v1 =	vld.idx.msk [tilespmem:v2+s3+$0x0], $0xffff;
	_ =	sdelay $0x1  }
0xd8: {  	v2 =	vor.u32 $0x1B, v0;
	_ =	sdelay $0x3  }
0xd9: {  	[tilespmem:s21+$0xD100] =	vst v1  }
0xda: {  	v1 =	vld.idx.msk [tilespmem:v2+s3+$0x0], $0xffff;
	_ =	sdelay $0x1  }
0xdb: {  	v2 =	vor.u32 $0x1C, v0;
	_ =	sdelay $0x3  }
0xdc: {  	[tilespmem:s21+$0xD180] =	vst v1  }
0xdd: {  	v1 =	vld.idx.msk [tilespmem:v2+s3+$0x0], $0xffff;
	_ =	sdelay $0x1  }
0xde: {  	v2 =	vor.u32 $0x1D, v0;
	_ =	sdelay $0x3  }
0xdf: {  	[tilespmem:s21+$0xD200] =	vst v1  }
0xe0: {  	v1 =	vld.idx.msk [tilespmem:v2+s3+$0x0], $0xffff;
	_ =	sdelay $0x1  }
0xe1: {  	v2 =	vor.u32 $0x1E, v0;
	_ =	sdelay $0x3  }
0xe2: {  	[tilespmem:s21+$0xD280] =	vst v1  }
0xe3: {  	v1 =	vld.idx.msk [tilespmem:v2+s3+$0x0], $0xffff;
	_ =	sdelay $0x1  }
0xe4: {  	v0 =	vor.u32 $0x1F, v0;
	_ =	sdelay $0x3  }
0xe5: {  	[tilespmem:s21+$0xD300] =	vst v1  }
0xe6: {  	v0 =	vld.idx.msk [tilespmem:v0+s3+$0x0], $0xffff  }
.Ltmp0:
0xe7: {  	(pc) =	sbr.rel @p1 .LBB2_3-.Ltmp0, $3  }
0xe8: {  	_ =	sdelay $0x1  }
0xe9: {  	s24 =	sand.u32 $0x180, s22  }
0xea: {  	s26 =	smov.u32 s23;
	s25 =	sand.u32 $0x70, s22;
	s24 =	sadd.s32 s24, s18  }
0xeb: {  	s23 =	sadd.s32 s25, s24;
	[tilespmem:s21+$0xD380] =	vst v0  }
0xec: {  	v0 =	vld [tilespmem:s23+$0x0];
	_ =	sdelay $0x4  }
0xed: {  	v0 =	vshll.u32 v0, $0x5;
	_ =	sdelay $0x4  }
0xee: {  	v1 =	vld.idx.msk [tilespmem:v0+s3+$0x0], $0xffff  }
0xef: {  	v2 =	vor.u32 $0x1, v0  }
0xf0: {  	s31 =	sadd.s32 $0x80, s20  }
0xf1: {  	s20 =	sand.u32 $0xC00, s31  }
0xf2: {  	s20 =	sor.u32 s25, s20  }
0xf3: {  	[tilespmem:s20+$0xA000] =	vst v1  }
0xf4: {  	v1 =	vld.idx.msk [tilespmem:v2+s3+$0x0], $0xffff  }
0xf5: {  	v2 =	vor.u32 $0x2, v0;
	_ =	sdelay $0x3  }
0xf6: {  	[tilespmem:s20+$0xA080] =	vst v1  }
0xf7: {  	v1 =	vld.idx.msk [tilespmem:v2+s3+$0x0], $0xffff  }
0xf8: {  	v2 =	vor.u32 $0x3, v0;
	_ =	sdelay $0x3  }
0xf9: {  	[tilespmem:s20+$0xA100] =	vst v1  }
0xfa: {  	v1 =	vld.idx.msk [tilespmem:v2+s3+$0x0], $0xffff  }
0xfb: {  	v2 =	vor.u32 $0x4, v0;
	_ =	sdelay $0x3  }
0xfc: {  	[tilespmem:s20+$0xA180] =	vst v1  }
0xfd: {  	v1 =	vld.idx.msk [tilespmem:v2+s3+$0x0], $0xffff  }
0xfe: {  	v2 =	vor.u32 $0x5, v0;
	_ =	sdelay $0x3  }
0xff: {  	[tilespmem:s20+$0xA200] =	vst v1  }
0x100: {  	v1 =	vld.idx.msk [tilespmem:v2+s3+$0x0], $0xffff  }
0x101: {  	v2 =	vor.u32 $0x6, v0;
	_ =	sdelay $0x3  }
0x102: {  	[tilespmem:s20+$0xA280] =	vst v1  }
0x103: {  	v1 =	vld.idx.msk [tilespmem:v2+s3+$0x0], $0xffff  }
0x104: {  	v2 =	vor.u32 $0x7, v0;
	_ =	sdelay $0x3  }
0x105: {  	[tilespmem:s20+$0xA300] =	vst v1  }
0x106: {  	v1 =	vld.idx.msk [tilespmem:v2+s3+$0x0], $0xffff  }
0x107: {  	v2 =	vor.u32 $0x8, v0;
	_ =	sdelay $0x1  }
0x108: {  	s21 =	sor.u32 s31, s22  }
0x109: {  	s21 =	sor.u32 $0x380, s21  }
0x10a: {  	[tilespmem:s21+$0xA000] =	vst v1  }
0x10b: {  	v1 =	vld.idx.msk [tilespmem:v2+s3+$0x0], $0xffff  }
0x10c: {  	v2 =	vor.u32 $0x9, v0;
	_ =	sdelay $0x3  }
0x10d: {  	[tilespmem:s20+$0xB000] =	vst v1  }
0x10e: {  	v1 =	vld.idx.msk [tilespmem:v2+s3+$0x0], $0xffff  }
0x10f: {  	v2 =	vor.u32 $0xA, v0;
	_ =	sdelay $0x3  }
0x110: {  	[tilespmem:s20+$0xB080] =	vst v1  }
0x111: {  	v1 =	vld.idx.msk [tilespmem:v2+s3+$0x0], $0xffff  }
0x112: {  	v2 =	vor.u32 $0xB, v0;
	_ =	sdelay $0x3  }
0x113: {  	[tilespmem:s20+$0xB100] =	vst v1  }
0x114: {  	v1 =	vld.idx.msk [tilespmem:v2+s3+$0x0], $0xffff  }
0x115: {  	v2 =	vor.u32 $0xC, v0;
	_ =	sdelay $0x3  }
0x116: {  	[tilespmem:s20+$0xB180] =	vst v1  }
0x117: {  	v1 =	vld.idx.msk [tilespmem:v2+s3+$0x0], $0xffff  }
0x118: {  	v2 =	vor.u32 $0xD, v0;
	_ =	sdelay $0x3  }
0x119: {  	[tilespmem:s20+$0xB200] =	vst v1  }
0x11a: {  	v1 =	vld.idx.msk [tilespmem:v2+s3+$0x0], $0xffff  }
0x11b: {  	v2 =	vor.u32 $0xE, v0;
	_ =	sdelay $0x3  }
0x11c: {  	[tilespmem:s20+$0xB280] =	vst v1  }
0x11d: {  	v1 =	vld.idx.msk [tilespmem:v2+s3+$0x0], $0xffff  }
0x11e: {  	v2 =	vor.u32 $0xF, v0;
	_ =	sdelay $0x3  }
0x11f: {  	[tilespmem:s20+$0xB300] =	vst v1  }
0x120: {  	v1 =	vld.idx.msk [tilespmem:v2+s3+$0x0], $0xffff  }
0x121: {  	v2 =	vor.u32 $0x10, v0;
	_ =	sdelay $0x3  }
0x122: {  	[tilespmem:s20+$0xB380] =	vst v1  }
0x123: {  	v1 =	vld.idx.msk [tilespmem:v2+s3+$0x0], $0xffff  }
0x124: {  	v2 =	vor.u32 $0x11, v0;
	_ =	sdelay $0x3  }
0x125: {  	[tilespmem:s20+$0xC000] =	vst v1  }
0x126: {  	v1 =	vld.idx.msk [tilespmem:v2+s3+$0x0], $0xffff  }
0x127: {  	v2 =	vor.u32 $0x12, v0;
	_ =	sdelay $0x3  }
0x128: {  	[tilespmem:s20+$0xC080] =	vst v1  }
0x129: {  	v1 =	vld.idx.msk [tilespmem:v2+s3+$0x0], $0xffff  }
0x12a: {  	v2 =	vor.u32 $0x13, v0;
	_ =	sdelay $0x3  }
0x12b: {  	[tilespmem:s20+$0xC100] =	vst v1  }
0x12c: {  	v1 =	vld.idx.msk [tilespmem:v2+s3+$0x0], $0xffff  }
0x12d: {  	v2 =	vor.u32 $0x14, v0;
	_ =	sdelay $0x3  }
0x12e: {  	[tilespmem:s20+$0xC180] =	vst v1  }
0x12f: {  	v1 =	vld.idx.msk [tilespmem:v2+s3+$0x0], $0xffff  }
0x130: {  	v2 =	vor.u32 $0x15, v0;
	_ =	sdelay $0x3  }
0x131: {  	[tilespmem:s20+$0xC200] =	vst v1  }
0x132: {  	v1 =	vld.idx.msk [tilespmem:v2+s3+$0x0], $0xffff  }
0x133: {  	v2 =	vor.u32 $0x16, v0;
	_ =	sdelay $0x3  }
0x134: {  	[tilespmem:s20+$0xC280] =	vst v1  }
0x135: {  	v1 =	vld.idx.msk [tilespmem:v2+s3+$0x0], $0xffff  }
0x136: {  	v2 =	vor.u32 $0x17, v0;
	_ =	sdelay $0x3  }
0x137: {  	[tilespmem:s20+$0xC300] =	vst v1  }
0x138: {  	v1 =	vld.idx.msk [tilespmem:v2+s3+$0x0], $0xffff  }
0x139: {  	v2 =	vor.u32 $0x18, v0;
	_ =	sdelay $0x3  }
0x13a: {  	[tilespmem:s20+$0xC380] =	vst v1  }
0x13b: {  	v1 =	vld.idx.msk [tilespmem:v2+s3+$0x0], $0xffff  }
0x13c: {  	v2 =	vor.u32 $0x19, v0;
	_ =	sdelay $0x3  }
0x13d: {  	[tilespmem:s20+$0xD000] =	vst v1  }
0x13e: {  	v1 =	vld.idx.msk [tilespmem:v2+s3+$0x0], $0xffff  }
0x13f: {  	v2 =	vor.u32 $0x1A, v0;
	_ =	sdelay $0x3  }
0x140: {  	[tilespmem:s20+$0xD080] =	vst v1  }
0x141: {  	v1 =	vld.idx.msk [tilespmem:v2+s3+$0x0], $0xffff  }
0x142: {  	v2 =	vor.u32 $0x1B, v0;
	_ =	sdelay $0x3  }
0x143: {  	[tilespmem:s20+$0xD100] =	vst v1  }
0x144: {  	v1 =	vld.idx.msk [tilespmem:v2+s3+$0x0], $0xffff  }
0x145: {  	v2 =	vor.u32 $0x1C, v0;
	_ =	sdelay $0x3  }
0x146: {  	[tilespmem:s20+$0xD180] =	vst v1  }
0x147: {  	v1 =	vld.idx.msk [tilespmem:v2+s3+$0x0], $0xffff  }
0x148: {  	v2 =	vor.u32 $0x1D, v0;
	_ =	sdelay $0x3  }
0x149: {  	[tilespmem:s20+$0xD200] =	vst v1  }
0x14a: {  	v1 =	vld.idx.msk [tilespmem:v2+s3+$0x0], $0xffff  }
0x14b: {  	v2 =	vor.u32 $0x1E, v0;
	_ =	sdelay $0x3  }
0x14c: {  	[tilespmem:s20+$0xD280] =	vst v1  }
0x14d: {  	v1 =	vld.idx.msk [tilespmem:v2+s3+$0x0], $0xffff  }
0x14e: {  	v0 =	vor.u32 $0x1F, v0;
	_ =	sdelay $0x3  }
0x14f: {  	[tilespmem:s20+$0xD300] =	vst v1  }
0x150: {  	v0 =	vld.idx.msk [tilespmem:v0+s3+$0x0], $0xffff;
	_ =	sdelay $0x3  }
0x151: {  	s19 =	sadd.s32 s6, s19  }
0x152: {  	s23 =	sadd.s32 s2, s19;
	[tilespmem:s20+$0xD380] =	vst v0;
	s20 =	simm.s32 $0x0  }
0x153: {  	[hbm4b:s23+s11] =	stream.strided.scatter [tilespmem:s12], [sflag:$0x1], $0x4000, s10, s11, $0x38;
	[tilespmem:$0x12000] =	vst v63  }
0x154: {  	s21 =	simm.s32 @!p0 $0x2;
	s24 =	sand.u32 $0x600, s20  }
0x155: {  	_ =	swait.ge @!p0 [sflag:s21], $0x4000;
	s22 =	sshrl.u32 s24, $0x2  }
0x156: {  	s25 =	sand.u32 $0x70, s20;
	[sflag:s21] =	ssyncset.done @!p0 $0x0;
	s22 =	sadd.s32 s22, s18  }
0x157: {  	[sflag:s21] =	ssyncadd.s32 @!p0 $0xFFFFC000;
	s26 =	sadd.s32 s25, s22  }
0x158: {  	v0 =	vld [tilespmem:s26+$0x200];
	_ =	sdelay $0x4  }
0x159: {  	v0 =	vshll.u32 v0, $0x5;
	_ =	sdelay $0x4  }
0x15a: {  	v1 =	vld.idx.msk [tilespmem:v0+s3+$0x0], $0xffff  }
0x15b: {  	v2 =	vor.u32 $0x1, v0;
	_ =	sdelay $0x1  }
0x15c: {  	s28 =	sand.u32 $0xC00, s20  }
0x15d: {  	s21 =	sor.u32 s25, s28  }
0x15e: {  	[tilespmem:s21+$0xE000] =	vst v1  }
0x15f: {  	v1 =	vld.idx.msk [tilespmem:v2+s3+$0x0], $0xffff  }
0x160: {  	v2 =	vor.u32 $0x2, v0;
	_ =	sdelay $0x3  }
0x161: {  	[tilespmem:s21+$0xE080] =	vst v1  }
0x162: {  	v1 =	vld.idx.msk [tilespmem:v2+s3+$0x0], $0xffff  }
0x163: {  	v2 =	vor.u32 $0x3, v0;
	_ =	sdelay $0x3  }
0x164: {  	[tilespmem:s21+$0xE100] =	vst v1  }
0x165: {  	v1 =	vld.idx.msk [tilespmem:v2+s3+$0x0], $0xffff  }
0x166: {  	v2 =	vor.u32 $0x4, v0;
	_ =	sdelay $0x3  }
0x167: {  	[tilespmem:s21+$0xE180] =	vst v1  }
0x168: {  	v1 =	vld.idx.msk [tilespmem:v2+s3+$0x0], $0xffff  }
0x169: {  	v2 =	vor.u32 $0x5, v0;
	_ =	sdelay $0x3  }
0x16a: {  	[tilespmem:s21+$0xE200] =	vst v1  }
0x16b: {  	v1 =	vld.idx.msk [tilespmem:v2+s3+$0x0], $0xffff  }
0x16c: {  	v2 =	vor.u32 $0x6, v0;
	_ =	sdelay $0x3  }
0x16d: {  	[tilespmem:s21+$0xE280] =	vst v1  }
0x16e: {  	v1 =	vld.idx.msk [tilespmem:v2+s3+$0x0], $0xffff  }
0x16f: {  	v2 =	vor.u32 $0x7, v0;
	_ =	sdelay $0x3  }
0x170: {  	[tilespmem:s21+$0xE300] =	vst v1  }
0x171: {  	v1 =	vld.idx.msk [tilespmem:v2+s3+$0x0], $0xffff  }
0x172: {  	v2 =	vor.u32 $0x8, v0;
	_ =	sdelay $0x1  }
0x173: {  	s29 =	sor.u32 s20, s20  }
0x174: {  	s22 =	sor.u32 $0x380, s29  }
0x175: {  	[tilespmem:s22+$0xE000] =	vst v1  }
0x176: {  	v1 =	vld.idx.msk [tilespmem:v2+s3+$0x0], $0xffff  }
0x177: {  	v2 =	vor.u32 $0x9, v0;
	_ =	sdelay $0x3  }
0x178: {  	[tilespmem:s21+$0xF000] =	vst v1  }
0x179: {  	v1 =	vld.idx.msk [tilespmem:v2+s3+$0x0], $0xffff  }
0x17a: {  	v2 =	vor.u32 $0xA, v0;
	_ =	sdelay $0x3  }
0x17b: {  	[tilespmem:s21+$0xF080] =	vst v1  }
0x17c: {  	v1 =	vld.idx.msk [tilespmem:v2+s3+$0x0], $0xffff  }
0x17d: {  	v2 =	vor.u32 $0xB, v0;
	_ =	sdelay $0x3  }
0x17e: {  	[tilespmem:s21+$0xF100] =	vst v1  }
0x17f: {  	v1 =	vld.idx.msk [tilespmem:v2+s3+$0x0], $0xffff  }
0x180: {  	v2 =	vor.u32 $0xC, v0;
	_ =	sdelay $0x3  }
0x181: {  	[tilespmem:s21+$0xF180] =	vst v1  }
0x182: {  	v1 =	vld.idx.msk [tilespmem:v2+s3+$0x0], $0xffff  }
0x183: {  	v2 =	vor.u32 $0xD, v0;
	_ =	sdelay $0x3  }
0x184: {  	[tilespmem:s21+$0xF200] =	vst v1  }
0x185: {  	v1 =	vld.idx.msk [tilespmem:v2+s3+$0x0], $0xffff  }
0x186: {  	v2 =	vor.u32 $0xE, v0;
	_ =	sdelay $0x3  }
0x187: {  	[tilespmem:s21+$0xF280] =	vst v1  }
0x188: {  	v1 =	vld.idx.msk [tilespmem:v2+s3+$0x0], $0xffff  }
0x189: {  	v2 =	vor.u32 $0xF, v0;
	_ =	sdelay $0x3  }
0x18a: {  	[tilespmem:s21+$0xF300] =	vst v1  }
0x18b: {  	v1 =	vld.idx.msk [tilespmem:v2+s3+$0x0], $0xffff  }
0x18c: {  	v2 =	vor.u32 $0x10, v0;
	_ =	sdelay $0x3  }
0x18d: {  	[tilespmem:s21+$0xF380] =	vst v1  }
0x18e: {  	v1 =	vld.idx.msk [tilespmem:v2+s3+$0x0], $0xffff  }
0x18f: {  	v2 =	vor.u32 $0x11, v0;
	_ =	sdelay $0x3  }
0x190: {  	[tilespmem:s21+$0x10000] =	vst v1  }
0x191: {  	v1 =	vld.idx.msk [tilespmem:v2+s3+$0x0], $0xffff  }
0x192: {  	v2 =	vor.u32 $0x12, v0;
	_ =	sdelay $0x3  }
0x193: {  	[tilespmem:s21+$0x10080] =	vst v1  }
0x194: {  	v1 =	vld.idx.msk [tilespmem:v2+s3+$0x0], $0xffff  }
0x195: {  	v2 =	vor.u32 $0x13, v0;
	_ =	sdelay $0x3  }
0x196: {  	[tilespmem:s21+$0x10100] =	vst v1  }
0x197: {  	v1 =	vld.idx.msk [tilespmem:v2+s3+$0x0], $0xffff  }
0x198: {  	v2 =	vor.u32 $0x14, v0;
	_ =	sdelay $0x3  }
0x199: {  	[tilespmem:s21+$0x10180] =	vst v1  }
0x19a: {  	v1 =	vld.idx.msk [tilespmem:v2+s3+$0x0], $0xffff  }
0x19b: {  	v2 =	vor.u32 $0x15, v0;
	_ =	sdelay $0x3  }
0x19c: {  	[tilespmem:s21+$0x10200] =	vst v1  }
0x19d: {  	v1 =	vld.idx.msk [tilespmem:v2+s3+$0x0], $0xffff  }
0x19e: {  	v2 =	vor.u32 $0x16, v0;
	_ =	sdelay $0x3  }
0x19f: {  	[tilespmem:s21+$0x10280] =	vst v1  }
0x1a0: {  	v1 =	vld.idx.msk [tilespmem:v2+s3+$0x0], $0xffff  }
0x1a1: {  	v2 =	vor.u32 $0x17, v0;
	_ =	sdelay $0x3  }
0x1a2: {  	[tilespmem:s21+$0x10300] =	vst v1  }
0x1a3: {  	v1 =	vld.idx.msk [tilespmem:v2+s3+$0x0], $0xffff  }
0x1a4: {  	v2 =	vor.u32 $0x18, v0;
	_ =	sdelay $0x3  }
0x1a5: {  	[tilespmem:s21+$0x10380] =	vst v1  }
0x1a6: {  	v1 =	vld.idx.msk [tilespmem:v2+s3+$0x0], $0xffff  }
0x1a7: {  	v2 =	vor.u32 $0x19, v0;
	_ =	sdelay $0x3  }
0x1a8: {  	[tilespmem:s21+$0x11000] =	vst v1  }
0x1a9: {  	v1 =	vld.idx.msk [tilespmem:v2+s3+$0x0], $0xffff  }
0x1aa: {  	v2 =	vor.u32 $0x1A, v0;
	_ =	sdelay $0x3  }
0x1ab: {  	[tilespmem:s21+$0x11080] =	vst v1  }
0x1ac: {  	v1 =	vld.idx.msk [tilespmem:v2+s3+$0x0], $0xffff  }
0x1ad: {  	v2 =	vor.u32 $0x1B, v0;
	_ =	sdelay $0x3  }
0x1ae: {  	[tilespmem:s21+$0x11100] =	vst v1  }
0x1af: {  	v1 =	vld.idx.msk [tilespmem:v2+s3+$0x0], $0xffff  }
0x1b0: {  	v2 =	vor.u32 $0x1C, v0;
	_ =	sdelay $0x3  }
0x1b1: {  	[tilespmem:s21+$0x11180] =	vst v1  }
0x1b2: {  	v1 =	vld.idx.msk [tilespmem:v2+s3+$0x0], $0xffff  }
0x1b3: {  	v2 =	vor.u32 $0x1D, v0;
	_ =	sdelay $0x3  }
0x1b4: {  	[tilespmem:s21+$0x11200] =	vst v1  }
0x1b5: {  	v1 =	vld.idx.msk [tilespmem:v2+s3+$0x0], $0xffff  }
0x1b6: {  	v2 =	vor.u32 $0x1E, v0;
	_ =	sdelay $0x3  }
0x1b7: {  	[tilespmem:s21+$0x11280] =	vst v1  }
0x1b8: {  	v1 =	vld.idx.msk [tilespmem:v2+s3+$0x0], $0xffff  }
0x1b9: {  	v0 =	vor.u32 $0x1F, v0;
	_ =	sdelay $0x3  }
0x1ba: {  	[tilespmem:s21+$0x11300] =	vst v1  }
0x1bb: {  	s30 =	simm.s32 $0x40;
	v0 =	vld.idx.msk [tilespmem:v0+s3+$0x0], $0xffff  }
0x1bc: {  	s22 =	sand.u32 $0x600, s30  }
0x1bd: {  	s31 =	sshrl.u32 s22, $0x2;
	s22 =	simm.s32 $0x10  }
0x1be: {  	s26 =	simm.s32 $0x80;
	s25 =	sand.u32 $0x70, s22;
	s24 =	sadd.s32 s31, s18  }
.LBB2_5:
0x1bf: {  	s28 =	sadd.s32 s25, s24  }
0x1c0: {  	[tilespmem:s21+$0x11380] =	vst v0;
	s20 =	sadd.s32 $0x80, s20;
	s24 =	smov.u32 s26;
	s23 =	sadd.s32 $0x40, s26  }
0x1c1: {  	p0 =	sne.s32 s26, $0x7C0;
	v0 =	vld [tilespmem:s28+$0x200];
	_ =	sdelay $0x4  }
0x1c2: {  	v0 =	vshll.u32 v0, $0x5;
	_ =	sdelay $0x4  }
0x1c3: {  	v1 =	vld.idx.msk [tilespmem:v0+s3+$0x0], $0xffff;
	_ =	sdelay $0x1  }
0x1c4: {  	v2 =	vor.u32 $0x1, v0;
	_ =	sdelay $0x1  }
0x1c5: {  	s21 =	sand.u32 $0xC00, s20  }
0x1c6: {  	s21 =	sor.u32 s25, s21  }
0x1c7: {  	[tilespmem:s21+$0xE000] =	vst v1  }
0x1c8: {  	v1 =	vld.idx.msk [tilespmem:v2+s3+$0x0], $0xffff;
	_ =	sdelay $0x1  }
0x1c9: {  	v2 =	vor.u32 $0x2, v0;
	_ =	sdelay $0x3  }
0x1ca: {  	[tilespmem:s21+$0xE080] =	vst v1  }
0x1cb: {  	v1 =	vld.idx.msk [tilespmem:v2+s3+$0x0], $0xffff;
	_ =	sdelay $0x1  }
0x1cc: {  	v2 =	vor.u32 $0x3, v0;
	_ =	sdelay $0x3  }
0x1cd: {  	[tilespmem:s21+$0xE100] =	vst v1  }
0x1ce: {  	v1 =	vld.idx.msk [tilespmem:v2+s3+$0x0], $0xffff;
	_ =	sdelay $0x1  }
0x1cf: {  	v2 =	vor.u32 $0x4, v0;
	_ =	sdelay $0x3  }
0x1d0: {  	[tilespmem:s21+$0xE180] =	vst v1  }
0x1d1: {  	v1 =	vld.idx.msk [tilespmem:v2+s3+$0x0], $0xffff;
	_ =	sdelay $0x1  }
0x1d2: {  	v2 =	vor.u32 $0x5, v0;
	_ =	sdelay $0x3  }
0x1d3: {  	[tilespmem:s21+$0xE200] =	vst v1  }
0x1d4: {  	v1 =	vld.idx.msk [tilespmem:v2+s3+$0x0], $0xffff;
	_ =	sdelay $0x1  }
0x1d5: {  	v2 =	vor.u32 $0x6, v0;
	_ =	sdelay $0x3  }
0x1d6: {  	[tilespmem:s21+$0xE280] =	vst v1  }
0x1d7: {  	v1 =	vld.idx.msk [tilespmem:v2+s3+$0x0], $0xffff;
	_ =	sdelay $0x1  }
0x1d8: {  	v2 =	vor.u32 $0x7, v0;
	_ =	sdelay $0x3  }
0x1d9: {  	[tilespmem:s21+$0xE300] =	vst v1  }
0x1da: {  	v1 =	vld.idx.msk [tilespmem:v2+s3+$0x0], $0xffff;
	_ =	sdelay $0x1  }
0x1db: {  	v2 =	vor.u32 $0x8, v0;
	_ =	sdelay $0x1  }
0x1dc: {  	s25 =	sor.u32 s20, s22  }
0x1dd: {  	s25 =	sor.u32 $0x380, s25  }
0x1de: {  	[tilespmem:s25+$0xE000] =	vst v1  }
0x1df: {  	v1 =	vld.idx.msk [tilespmem:v2+s3+$0x0], $0xffff;
	_ =	sdelay $0x1  }
0x1e0: {  	v2 =	vor.u32 $0x9, v0;
	_ =	sdelay $0x3  }
0x1e1: {  	[tilespmem:s21+$0xF000] =	vst v1  }
0x1e2: {  	v1 =	vld.idx.msk [tilespmem:v2+s3+$0x0], $0xffff;
	_ =	sdelay $0x1  }
0x1e3: {  	v2 =	vor.u32 $0xA, v0;
	_ =	sdelay $0x3  }
0x1e4: {  	[tilespmem:s21+$0xF080] =	vst v1  }
0x1e5: {  	v1 =	vld.idx.msk [tilespmem:v2+s3+$0x0], $0xffff;
	_ =	sdelay $0x1  }
0x1e6: {  	v2 =	vor.u32 $0xB, v0;
	_ =	sdelay $0x3  }
0x1e7: {  	[tilespmem:s21+$0xF100] =	vst v1  }
0x1e8: {  	v1 =	vld.idx.msk [tilespmem:v2+s3+$0x0], $0xffff;
	_ =	sdelay $0x1  }
0x1e9: {  	v2 =	vor.u32 $0xC, v0;
	_ =	sdelay $0x3  }
0x1ea: {  	[tilespmem:s21+$0xF180] =	vst v1  }
0x1eb: {  	v1 =	vld.idx.msk [tilespmem:v2+s3+$0x0], $0xffff;
	_ =	sdelay $0x1  }
0x1ec: {  	v2 =	vor.u32 $0xD, v0;
	_ =	sdelay $0x3  }
0x1ed: {  	[tilespmem:s21+$0xF200] =	vst v1  }
0x1ee: {  	v1 =	vld.idx.msk [tilespmem:v2+s3+$0x0], $0xffff;
	_ =	sdelay $0x1  }
0x1ef: {  	v2 =	vor.u32 $0xE, v0;
	_ =	sdelay $0x3  }
0x1f0: {  	[tilespmem:s21+$0xF280] =	vst v1  }
0x1f1: {  	v1 =	vld.idx.msk [tilespmem:v2+s3+$0x0], $0xffff;
	_ =	sdelay $0x1  }
0x1f2: {  	v2 =	vor.u32 $0xF, v0;
	_ =	sdelay $0x3  }
0x1f3: {  	[tilespmem:s21+$0xF300] =	vst v1  }
0x1f4: {  	v1 =	vld.idx.msk [tilespmem:v2+s3+$0x0], $0xffff;
	_ =	sdelay $0x1  }
0x1f5: {  	v2 =	vor.u32 $0x10, v0;
	_ =	sdelay $0x3  }
0x1f6: {  	[tilespmem:s21+$0xF380] =	vst v1  }
0x1f7: {  	v1 =	vld.idx.msk [tilespmem:v2+s3+$0x0], $0xffff;
	_ =	sdelay $0x1  }
0x1f8: {  	v2 =	vor.u32 $0x11, v0;
	_ =	sdelay $0x3  }
0x1f9: {  	[tilespmem:s21+$0x10000] =	vst v1  }
0x1fa: {  	v1 =	vld.idx.msk [tilespmem:v2+s3+$0x0], $0xffff;
	_ =	sdelay $0x1  }
0x1fb: {  	v2 =	vor.u32 $0x12, v0;
	_ =	sdelay $0x3  }
0x1fc: {  	[tilespmem:s21+$0x10080] =	vst v1  }
0x1fd: {  	v1 =	vld.idx.msk [tilespmem:v2+s3+$0x0], $0xffff;
	_ =	sdelay $0x1  }
0x1fe: {  	v2 =	vor.u32 $0x13, v0;
	_ =	sdelay $0x3  }
0x1ff: {  	[tilespmem:s21+$0x10100] =	vst v1  }
0x200: {  	v1 =	vld.idx.msk [tilespmem:v2+s3+$0x0], $0xffff;
	_ =	sdelay $0x1  }
0x201: {  	v2 =	vor.u32 $0x14, v0;
	_ =	sdelay $0x3  }
0x202: {  	[tilespmem:s21+$0x10180] =	vst v1  }
0x203: {  	v1 =	vld.idx.msk [tilespmem:v2+s3+$0x0], $0xffff;
	_ =	sdelay $0x1  }
0x204: {  	v2 =	vor.u32 $0x15, v0;
	_ =	sdelay $0x3  }
0x205: {  	[tilespmem:s21+$0x10200] =	vst v1  }
0x206: {  	v1 =	vld.idx.msk [tilespmem:v2+s3+$0x0], $0xffff;
	_ =	sdelay $0x1  }
0x207: {  	v2 =	vor.u32 $0x16, v0;
	_ =	sdelay $0x3  }
0x208: {  	[tilespmem:s21+$0x10280] =	vst v1  }
0x209: {  	v1 =	vld.idx.msk [tilespmem:v2+s3+$0x0], $0xffff;
	_ =	sdelay $0x1  }
0x20a: {  	v2 =	vor.u32 $0x17, v0;
	_ =	sdelay $0x3  }
0x20b: {  	[tilespmem:s21+$0x10300] =	vst v1  }
0x20c: {  	v1 =	vld.idx.msk [tilespmem:v2+s3+$0x0], $0xffff;
	_ =	sdelay $0x1  }
0x20d: {  	v2 =	vor.u32 $0x18, v0;
	_ =	sdelay $0x3  }
0x20e: {  	[tilespmem:s21+$0x10380] =	vst v1  }
0x20f: {  	v1 =	vld.idx.msk [tilespmem:v2+s3+$0x0], $0xffff;
	_ =	sdelay $0x1  }
0x210: {  	v2 =	vor.u32 $0x19, v0;
	_ =	sdelay $0x3  }
0x211: {  	[tilespmem:s21+$0x11000] =	vst v1  }
0x212: {  	v1 =	vld.idx.msk [tilespmem:v2+s3+$0x0], $0xffff;
	_ =	sdelay $0x1  }
0x213: {  	v2 =	vor.u32 $0x1A, v0;
	_ =	sdelay $0x3  }
0x214: {  	[tilespmem:s21+$0x11080] =	vst v1  }
0x215: {  	v1 =	vld.idx.msk [tilespmem:v2+s3+$0x0], $0xffff;
	_ =	sdelay $0x1  }
0x216: {  	v2 =	vor.u32 $0x1B, v0;
	_ =	sdelay $0x3  }
0x217: {  	[tilespmem:s21+$0x11100] =	vst v1  }
0x218: {  	v1 =	vld.idx.msk [tilespmem:v2+s3+$0x0], $0xffff;
	_ =	sdelay $0x1  }
0x219: {  	v2 =	vor.u32 $0x1C, v0;
	_ =	sdelay $0x3  }
0x21a: {  	[tilespmem:s21+$0x11180] =	vst v1  }
0x21b: {  	v1 =	vld.idx.msk [tilespmem:v2+s3+$0x0], $0xffff;
	_ =	sdelay $0x1  }
0x21c: {  	v2 =	vor.u32 $0x1D, v0;
	_ =	sdelay $0x3  }
0x21d: {  	[tilespmem:s21+$0x11200] =	vst v1  }
0x21e: {  	v1 =	vld.idx.msk [tilespmem:v2+s3+$0x0], $0xffff;
	_ =	sdelay $0x1  }
0x21f: {  	v2 =	vor.u32 $0x1E, v0;
	_ =	sdelay $0x3  }
0x220: {  	[tilespmem:s21+$0x11280] =	vst v1  }
0x221: {  	v1 =	vld.idx.msk [tilespmem:v2+s3+$0x0], $0xffff;
	_ =	sdelay $0x1  }
0x222: {  	v0 =	vor.u32 $0x1F, v0;
	_ =	sdelay $0x3  }
0x223: {  	[tilespmem:s21+$0x11300] =	vst v1  }
0x224: {  	v0 =	vld.idx.msk [tilespmem:v0+s3+$0x0], $0xffff  }
.Ltmp1:
0x225: {  	(pc) =	sbr.rel @p0 .LBB2_5-.Ltmp1, $4  }
0x226: {  	_ = 	snop  }
0x227: {  	s24 =	sand.u32 $0x600, s24  }
0x228: {  	s24 =	sshrl.u32 s24, $0x2;
	s22 =	sadd.s32 $0x10, s22  }
0x229: {  	s26 =	smov.u32 s23;
	s24 =	sadd.s32 s24, s18;
	s25 =	sand.u32 $0x70, s22  }
0x22a: {  	s18 =	sadd.s32 s25, s24;
	[tilespmem:s21+$0x11380] =	vst v0  }
0x22b: {  	v0 =	vld [tilespmem:s18+$0x200];
	_ =	sdelay $0x4  }
0x22c: {  	v0 =	vshll.u32 v0, $0x5;
	_ =	sdelay $0x4  }
0x22d: {  	v1 =	vld.idx.msk [tilespmem:v0+s3+$0x0], $0xffff  }
0x22e: {  	v2 =	vor.u32 $0x1, v0  }
0x22f: {  	s20 =	sadd.s32 $0x80, s20  }
0x230: {  	s30 =	sand.u32 $0xC00, s20  }
0x231: {  	s18 =	sor.u32 s25, s30  }
0x232: {  	[tilespmem:s18+$0xE000] =	vst v1  }
0x233: {  	v1 =	vld.idx.msk [tilespmem:v2+s3+$0x0], $0xffff  }
0x234: {  	v35 =	vor.u32 $0x2, v0;
	_ =	sdelay $0x3  }
0x235: {  	[tilespmem:s18+$0xE080] =	vst v1  }
0x236: {  	v1 =	vld.idx.msk [tilespmem:v35+s3+$0x0], $0xffff  }
0x237: {  	v36 =	vor.u32 $0x3, v0;
	_ =	sdelay $0x3  }
0x238: {  	[tilespmem:s18+$0xE100] =	vst v1  }
0x239: {  	v1 =	vld.idx.msk [tilespmem:v36+s3+$0x0], $0xffff  }
0x23a: {  	v37 =	vor.u32 $0x4, v0;
	_ =	sdelay $0x3  }
0x23b: {  	[tilespmem:s18+$0xE180] =	vst v1  }
0x23c: {  	v1 =	vld.idx.msk [tilespmem:v37+s3+$0x0], $0xffff  }
0x23d: {  	v38 =	vor.u32 $0x5, v0;
	_ =	sdelay $0x3  }
0x23e: {  	[tilespmem:s18+$0xE200] =	vst v1  }
0x23f: {  	v1 =	vld.idx.msk [tilespmem:v38+s3+$0x0], $0xffff  }
0x240: {  	v39 =	vor.u32 $0x6, v0;
	_ =	sdelay $0x3  }
0x241: {  	[tilespmem:s18+$0xE280] =	vst v1  }
0x242: {  	v1 =	vld.idx.msk [tilespmem:v39+s3+$0x0], $0xffff  }
0x243: {  	v40 =	vor.u32 $0x7, v0;
	_ =	sdelay $0x3  }
0x244: {  	[tilespmem:s18+$0xE300] =	vst v1  }
0x245: {  	v1 =	vld.idx.msk [tilespmem:v40+s3+$0x0], $0xffff  }
0x246: {  	v41 =	vor.u32 $0x8, v0;
	_ =	sdelay $0x1  }
0x247: {  	s20 =	sor.u32 s20, s22  }
0x248: {  	s20 =	sor.u32 $0x380, s20  }
0x249: {  	[tilespmem:s20+$0xE000] =	vst v1  }
0x24a: {  	v1 =	vld.idx.msk [tilespmem:v41+s3+$0x0], $0xffff  }
0x24b: {  	v42 =	vor.u32 $0x9, v0;
	_ =	sdelay $0x3  }
0x24c: {  	[tilespmem:s18+$0xF000] =	vst v1  }
0x24d: {  	v1 =	vld.idx.msk [tilespmem:v42+s3+$0x0], $0xffff  }
0x24e: {  	v43 =	vor.u32 $0xA, v0;
	_ =	sdelay $0x3  }
0x24f: {  	[tilespmem:s18+$0xF080] =	vst v1  }
0x250: {  	v1 =	vld.idx.msk [tilespmem:v43+s3+$0x0], $0xffff  }
0x251: {  	v44 =	vor.u32 $0xB, v0;
	_ =	sdelay $0x3  }
0x252: {  	[tilespmem:s18+$0xF100] =	vst v1  }
0x253: {  	v1 =	vld.idx.msk [tilespmem:v44+s3+$0x0], $0xffff  }
0x254: {  	v45 =	vor.u32 $0xC, v0;
	_ =	sdelay $0x3  }
0x255: {  	[tilespmem:s18+$0xF180] =	vst v1  }
0x256: {  	v1 =	vld.idx.msk [tilespmem:v45+s3+$0x0], $0xffff  }
0x257: {  	v46 =	vor.u32 $0xD, v0;
	_ =	sdelay $0x3  }
0x258: {  	[tilespmem:s18+$0xF200] =	vst v1  }
0x259: {  	v1 =	vld.idx.msk [tilespmem:v46+s3+$0x0], $0xffff  }
0x25a: {  	v47 =	vor.u32 $0xE, v0;
	_ =	sdelay $0x3  }
0x25b: {  	[tilespmem:s18+$0xF280] =	vst v1  }
0x25c: {  	v1 =	vld.idx.msk [tilespmem:v47+s3+$0x0], $0xffff  }
0x25d: {  	v48 =	vor.u32 $0xF, v0;
	_ =	sdelay $0x3  }
0x25e: {  	[tilespmem:s18+$0xF300] =	vst v1  }
0x25f: {  	v1 =	vld.idx.msk [tilespmem:v48+s3+$0x0], $0xffff  }
0x260: {  	v49 =	vor.u32 $0x10, v0;
	_ =	sdelay $0x3  }
0x261: {  	[tilespmem:s18+$0xF380] =	vst v1  }
0x262: {  	v1 =	vld.idx.msk [tilespmem:v49+s3+$0x0], $0xffff  }
0x263: {  	v50 =	vor.u32 $0x11, v0;
	_ =	sdelay $0x3  }
0x264: {  	[tilespmem:s18+$0x10000] =	vst v1  }
0x265: {  	v1 =	vld.idx.msk [tilespmem:v50+s3+$0x0], $0xffff  }
0x266: {  	v51 =	vor.u32 $0x12, v0;
	_ =	sdelay $0x3  }
0x267: {  	[tilespmem:s18+$0x10080] =	vst v1  }
0x268: {  	v1 =	vld.idx.msk [tilespmem:v51+s3+$0x0], $0xffff  }
0x269: {  	v52 =	vor.u32 $0x13, v0;
	_ =	sdelay $0x3  }
0x26a: {  	[tilespmem:s18+$0x10100] =	vst v1  }
0x26b: {  	v1 =	vld.idx.msk [tilespmem:v52+s3+$0x0], $0xffff  }
0x26c: {  	v53 =	vor.u32 $0x14, v0;
	_ =	sdelay $0x3  }
0x26d: {  	[tilespmem:s18+$0x10180] =	vst v1  }
0x26e: {  	v1 =	vld.idx.msk [tilespmem:v53+s3+$0x0], $0xffff  }
0x26f: {  	v54 =	vor.u32 $0x15, v0;
	_ =	sdelay $0x3  }
0x270: {  	[tilespmem:s18+$0x10200] =	vst v1  }
0x271: {  	v1 =	vld.idx.msk [tilespmem:v54+s3+$0x0], $0xffff  }
0x272: {  	v55 =	vor.u32 $0x16, v0;
	_ =	sdelay $0x3  }
0x273: {  	[tilespmem:s18+$0x10280] =	vst v1  }
0x274: {  	v1 =	vld.idx.msk [tilespmem:v55+s3+$0x0], $0xffff  }
0x275: {  	v56 =	vor.u32 $0x17, v0;
	_ =	sdelay $0x3  }
0x276: {  	[tilespmem:s18+$0x10300] =	vst v1  }
0x277: {  	v1 =	vld.idx.msk [tilespmem:v56+s3+$0x0], $0xffff  }
0x278: {  	v57 =	vor.u32 $0x18, v0;
	_ =	sdelay $0x3  }
0x279: {  	[tilespmem:s18+$0x10380] =	vst v1  }
0x27a: {  	v1 =	vld.idx.msk [tilespmem:v57+s3+$0x0], $0xffff  }
0x27b: {  	v58 =	vor.u32 $0x19, v0;
	_ =	sdelay $0x3  }
0x27c: {  	[tilespmem:s18+$0x11000] =	vst v1  }
0x27d: {  	v1 =	vld.idx.msk [tilespmem:v58+s3+$0x0], $0xffff  }
0x27e: {  	v59 =	vor.u32 $0x1A, v0;
	_ =	sdelay $0x3  }
0x27f: {  	[tilespmem:s18+$0x11080] =	vst v1  }
0x280: {  	v1 =	vld.idx.msk [tilespmem:v59+s3+$0x0], $0xffff  }
0x281: {  	v60 =	vor.u32 $0x1B, v0;
	_ =	sdelay $0x3  }
0x282: {  	[tilespmem:s18+$0x11100] =	vst v1  }
0x283: {  	v1 =	vld.idx.msk [tilespmem:v60+s3+$0x0], $0xffff  }
0x284: {  	v61 =	vor.u32 $0x1C, v0;
	_ =	sdelay $0x3  }
0x285: {  	[tilespmem:s18+$0x11180] =	vst v1  }
0x286: {  	v1 =	vld.idx.msk [tilespmem:v61+s3+$0x0], $0xffff  }
0x287: {  	v62 =	vor.u32 $0x1D, v0;
	_ =	sdelay $0x3  }
0x288: {  	[tilespmem:s18+$0x11200] =	vst v1  }
0x289: {  	v1 =	vld.idx.msk [tilespmem:v62+s3+$0x0], $0xffff  }
0x28a: {  	v63 =	vor.u32 $0x1E, v0;
	_ =	sdelay $0x3  }
0x28b: {  	[tilespmem:s18+$0x11280] =	vst v1  }
0x28c: {  	v1 =	vld.idx.msk [tilespmem:v63+s3+$0x0], $0xffff  }
0x28d: {  	v0 =	vor.u32 $0x1F, v0;
	_ =	sdelay $0x3  }
0x28e: {  	[tilespmem:s18+$0x11300] =	vst v1  }
0x28f: {  	s17 =	sadd.s32 $0x1, s17;
	v0 =	vld.idx.msk [tilespmem:v0+s3+$0x0], $0xffff  }
0x290: {  	p0 =	sne.s32 s17, $0x20  }
.Ltmp2:
0x291: {  	_ = 	snop;
	(pc) =	sbr.rel @p0 .LBB2_2-.Ltmp2, $3  }
0x292: {  	_ =	sdelay $0x1  }
0x293: {  	s31 =	sadd.s32 s19, s7;
	[tilespmem:s18+$0x11380] =	vst v0  }
0x294: {  	[hbm4b:s31+s11] =	stream.strided.scatter [tilespmem:s13], [sflag:$0x2], $0x4000, s10, s11, $0x38;
	[tilespmem:$0x12000] =	vst v63  }
0x295: {  	s16 =	sadd.s32 $0x1, s16  }
0x296: {  	_ =	swait.ge [sflag:s14], $0x4000;
	p0 =	sne.s32 s16, s8  }
.Ltmp3:
0x297: {  	[sflag:s14] =	ssyncset.done $0x0;
	(pc) =	sbr.rel @p0 .LBB2_1-.Ltmp3, $4  }
0x298: {  	[sflag:s14] =	ssyncadd.s32 $0xFFFFC000  }
0x299: {  	_ =	swait.ge [sflag:s15], $0x4000  }
0x29a: {  	[sflag:s15] =	ssyncset.done $0x0  }
0x29b: {  	[sflag:s15] =	ssyncadd.s32 $0xFFFFC000  }
0x29c: {  	_ =	sfence.sel $0x180000  }
0x29d: {  	[bflag:$0x0] =	sbarrier.arrive $0xFFFF  }
0x29e: {  	p0 =	sne.s32 s1, $0x0;
	_ =	strace $0x90000047  }
0x29f: {  	s0 =	sadd.s32 @!p0 $0x100000, s0;
	[bflag:$0x2] =	sbarrier.arrive $0xFFFF  }
0x2a0: {  	[sflag:s0] =	ssyncadd.tile.s32 @!p0 $0x1;
	_ =	shalt  }
.Lfunc_end2:
_tile_overlayer_lowered:
.L_overlay_start_2:
0x2a1: {  	(tag) =	ssettag $0x2  }
0x2a2: {  	s0 =	rddreg [dreg:$0x0];
	s2 =	stileid.u32  }
0x2a3: {  	s1 =	rddreg [dreg:$0x1];
	p0 =	sne.s32 s2, $0x0  }
0x2a4: {  	s3 =	rddreg [dreg:$0x2];
	[bflag:$0x3] =	sbarrier.arrive $0xFFFF;
	s2 =	simm.s32 @!p0 $0x1C03  }
0x2a5: {  	[timem:s3], [sflag:s2] =	dma.local @!p0 [hbm:s0], s1  }
0x2a6: {  	s0 =	simm.s32 @!p0 $0x3  }
0x2a7: {  	_ =	swait.ge @!p0 [sflag:s0], s1  }
0x2a8: {  	s1 =	ssub.s32 @!p0 $0x0, s1;
	[sflag:s0] =	ssyncset.done @!p0 $0x0  }
0x2a9: {  	[sflag:s0] =	ssyncadd.s32 @!p0 s1  }
0x2aa: {  	[bflag:$0x3] =	sbarrier.arrive $0xFFFF  }
0x2ab: {  	_ =	shalt  }

</sc_bundles>
